<compile_context>
chip_gen: v7x
topology: tpu7x:2x2x1
jax: 0.10.2.dev20260603
libtpu: 0.0.44.dev20260713+nightly
codegen_flags: <defaults>
</compile_context>

<pallas_src>
import jax
import jax.numpy as jnp
import numpy as np
from jax import lax
from jax.experimental import pallas as pl
from jax.experimental.pallas import tpu as pltpu
from jax.experimental.pallas import tpu_sc as plsc

N = 10000
E = 320000
D = 128
HID = 1000
HIDP = 1024
T = 4
P = 0.05

NC = 2
NS = 16
NW = NC * NS
EPT = E // NW
K = 125
GS = 8
G = EPT // (GS * K)
ACC_ROWS = 10112
ZROWS = ACC_ROWS // NS


def _sc_body(e5_hbm, table_hbm, zero_hbm, out_hbm,
             src_v, dbuf, rows, isem, gsems, acc_sh):
    c = lax.axis_index("c")
    s = lax.axis_index("s")
    wid = c * NS + s

    pltpu.sync_copy(e5_hbm.at[0, wid], src_v)
    pltpu.sync_copy(zero_hbm, acc_sh.at[pl.ds(s * ZROWS, ZROWS)])

    pltpu.async_copy(e5_hbm.at[1, wid, 0], dbuf.at[0], isem)
    for b in range(2):
        pltpu.async_copy(table_hbm.at[src_v.at[0, b]], rows[b], gsems[b])
    plsc.subcore_barrier()

    def group(g, _):
        gm = lax.rem(g, 2)
        pltpu.make_async_copy(e5_hbm.at[1, wid, g], dbuf.at[gm], isem).wait()

        @pl.when(g + 1 < G)
        def _fire_idx():
            pltpu.async_copy(e5_hbm.at[1, wid, g + 1],
                             dbuf.at[1 - gm], isem)

        for j in range(GS):
            b = j % 2
            pltpu.make_async_copy(table_hbm.at[src_v.at[g, j]],
                                  rows[b], gsems[b]).wait()
            pltpu.sync_copy(rows[b], acc_sh.at[dbuf.at[gm, j]], add=True)
            nxt = g * GS + j + 2

            @pl.when(nxt < G * GS)
            def _fire_gather():
                pltpu.async_copy(
                    table_hbm.at[src_v.at[(g * GS + j + 2) // GS,
                                          (j + 2) % GS]],
                    rows[b], gsems[b])
        return _

    lax.fori_loop(0, G, group, None)

    plsc.subcore_barrier()
    pltpu.sync_copy(acc_sh.at[pl.ds(s * ZROWS, ZROWS)],
                    out_hbm.at[c, pl.ds(s * ZROWS, ZROWS)])


def _sc_segment_sum(e5, table, zeros):
    mesh = plsc.VectorSubcoreMesh(core_axis_name="c", subcore_axis_name="s")
    return pl.kernel(
        _sc_body,
        out_type=jax.ShapeDtypeStruct((NC, ACC_ROWS, D), jnp.float32),
        mesh=mesh,
        compiler_params=pltpu.CompilerParams(needs_layout_passes=False),
        scratch_types=[
            pltpu.VMEM((G, GS, K), jnp.int32),
            pltpu.VMEM((2, GS, K), jnp.int32),
            [pltpu.VMEM((K, D), jnp.float32) for _ in range(2)],
            pltpu.SemaphoreType.DMA,
            [pltpu.SemaphoreType.DMA for _ in range(2)],
            pltpu.VMEM_SHARED((ACC_ROWS, D), jnp.float32),
        ],
    )(e5, table, zeros)


def _tc_scale_body(x_ref, k_ref, o_ref):
    o_ref[...] = x_ref[...] * k_ref[...]


def _tc_scale(x, keepf):
    return pl.pallas_call(
        _tc_scale_body,
        out_shape=jax.ShapeDtypeStruct((N, D), jnp.float32),
    )(x, keepf)


def _tc_encode_body(x_ref, aggp_ref, k_ref, ws_ref, we_ref, b_ref, wp1_ref,
                    m_ref):
    k = k_ref[...]
    agg = ((aggp_ref[0] + aggp_ref[1]) * k).astype(jnp.bfloat16)
    h = jnp.dot(x_ref[...].astype(jnp.bfloat16), ws_ref[...],
                preferred_element_type=jnp.float32)
    h += jnp.dot(agg, we_ref[...], preferred_element_type=jnp.float32)
    h = jnp.maximum(h + b_ref[...], 0.0).astype(jnp.bfloat16)
    m_ref[...] = jnp.dot(h, wp1_ref[...],
                         preferred_element_type=jnp.float32) * k


def _tc_encode(x, aggp, keepf, ws, we, b, wp1, nb=2000):
    grid = (N // nb,)
    return pl.pallas_call(
        _tc_encode_body,
        grid=grid,
        in_specs=[
            pl.BlockSpec((nb, D), lambda i: (i, 0)),
            pl.BlockSpec((NC, nb, D), lambda i: (0, i, 0)),
            pl.BlockSpec((nb, 1), lambda i: (i, 0)),
            pl.BlockSpec((D, HIDP), lambda i: (0, 0)),
            pl.BlockSpec((D, HIDP), lambda i: (0, 0)),
            pl.BlockSpec((1, HIDP), lambda i: (0, 0)),
            pl.BlockSpec((HIDP, D), lambda i: (0, 0)),
        ],
        out_specs=pl.BlockSpec((nb, D), lambda i: (i, 0)),
        out_shape=jax.ShapeDtypeStruct((N, D), jnp.float32),
    )(x, aggp, keepf, ws, we, b, wp1)


def _tc_predict_body(aggp_ref, k_ref, wp2t_ref, b_ref, out_ref):
    agg = (aggp_ref[0] + aggp_ref[1]) * k_ref[...]
    vt = jax.lax.dot_general(wp2t_ref[...], agg, (((1,), (1,)), ((), ())),
                             preferred_element_type=jnp.float32)
    out_ref[...] = jnp.tanh(vt + b_ref[...])


def _tc_predict(aggp, keepf, wp2t, bt, hb=200):
    grid = (HID // hb,)
    return pl.pallas_call(
        _tc_predict_body,
        grid=grid,
        in_specs=[
            pl.BlockSpec((NC, N, D), lambda i: (0, 0, 0)),
            pl.BlockSpec((N, 1), lambda i: (0, 0)),
            pl.BlockSpec((hb, D), lambda i: (i, 0)),
            pl.BlockSpec((hb, 1), lambda i: (i, 0)),
        ],
        out_specs=pl.BlockSpec((hb, N), lambda i: (i, 0)),
        out_shape=jax.ShapeDtypeStruct((HID, N), jnp.float32),
    )(aggp, keepf, wp2t, bt)


def _np_rotl(x, r):
    return ((x << np.uint32(r)) | (x >> np.uint32(32 - r))).astype(np.uint32)


def _np_keep_mask(seed, p, n):
    ks = [np.uint32(seed >> 32), np.uint32(seed & 0xFFFFFFFF)]
    ks.append(np.uint32(ks[0] ^ ks[1] ^ np.uint32(0x1BD11BDA)))
    rot = [[13, 15, 26, 6], [17, 29, 16, 24]]
    x0 = np.full(n, ks[0], np.uint32)
    x1 = (np.arange(n, dtype=np.uint32) + ks[1]).astype(np.uint32)
    for i in range(5):
        for r in rot[i % 2]:
            x0 = (x0 + x1).astype(np.uint32)
            x1 = (_np_rotl(x1, r) ^ x0).astype(np.uint32)
        x0 = (x0 + ks[(i + 1) % 3]).astype(np.uint32)
        x1 = (x1 + ks[(i + 2) % 3] + np.uint32(i + 1)).astype(np.uint32)
    bits = (x0 ^ x1).astype(np.uint32)
    fl = ((bits >> np.uint32(9)) | np.uint32(0x3F800000)).view(np.float32)
    u = np.maximum(np.float32(0.0), fl - np.float32(1.0))
    return u < np.float32(p)


_KEEPF = _np_keep_mask(12345, 1.0 - P, N).astype(np.float32).reshape(N, 1)


@jax.jit
def kernel(x, edge_index, W_self, W_enc, b_enc, W_p1, W_p2, b_p2):
    keepf = jnp.asarray(_KEEPF)
    e5 = edge_index.reshape(2, NW, G, GS, K)
    zeros = jnp.zeros((ZROWS, D), jnp.float32)

    ws = jnp.pad(W_self, ((0, 0), (0, HIDP - HID))).astype(jnp.bfloat16)
    we = jnp.pad(W_enc, ((0, 0), (0, HIDP - HID))).astype(jnp.bfloat16)
    be = jnp.pad(b_enc, (0, HIDP - HID)).reshape(1, HIDP)
    wp1 = jnp.pad(W_p1, ((0, HIDP - HID), (0, 0))).astype(jnp.bfloat16)
    wp2t = W_p2.T
    bp2t = b_p2.reshape(HID, 1)

    xk = _tc_scale(x, keepf)
    aggp = _sc_segment_sum(e5, xk, zeros)
    m = _tc_encode(x, aggp, keepf, ws, we, be, wp1)
    agg2p = _sc_segment_sum(e5, m, zeros)
    vt = _tc_predict(agg2p, keepf, wp2t, bp2t)
    return jnp.broadcast_to(vt.T[None], (T, N, HID))

# --- scband reference (transcript-rebuilt; emitter-appended) ---
"""Pipeline reference for scband-embedding-model-53429393162711 (READ-ONLY COPY).

The authoritative reference and input builder live on the scoring server;
editing this copy changes nothing except your own understanding.
"""

import jax, jax.numpy as jnp
import numpy as np

N = 10000      # n_nodes
E = 320000     # n_edges
D = 128        # num_features
HID = 1000     # predictor dims (ContextTargetPredictor(dims=1000))
T = 4          # num_targets
P = 0.05       # dropout_node probability


def setup_inputs(seed: int = 0) -> dict:
    key = jax.random.key(seed)
    ks = jax.random.split(key, 9)
    x = jax.random.normal(ks[0], (N, D), dtype=jnp.float32)
    edge_index = jax.random.randint(ks[1], (2, E), 0, N, dtype=jnp.int32)
    # learned parameters
    W_self = jax.random.normal(ks[2], (D, HID), dtype=jnp.float32) * (1.0 / np.sqrt(D))
    W_enc = jax.random.normal(ks[3], (D, HID), dtype=jnp.float32) * (1.0 / np.sqrt(D))
    b_enc = jnp.zeros((HID,), dtype=jnp.float32)
    W_p1 = jax.random.normal(ks[4], (HID, D), dtype=jnp.float32) * (1.0 / np.sqrt(HID))
    W_p2 = jax.random.normal(ks[5], (D, HID), dtype=jnp.float32) * (1.0 / np.sqrt(D))
    b_p2 = jnp.zeros((HID,), dtype=jnp.float32)
    return {"x": x, "edge_index": edge_index, "W_self": W_self, "W_enc": W_enc,
            "b_enc": b_enc, "W_p1": W_p1, "W_p2": W_p2, "b_p2": b_p2}


def _dropout_node_edge_mask(edge_index):
    # dropout_node(edge_index, p=0.05): drop nodes with prob p; an edge survives
    # only if both endpoints survive. Deterministic key for reproducibility.
    key = jax.random.key(12345)
    node_keep = jax.random.bernoulli(key, 1.0 - P, (N,))
    src, dst = edge_index[0], edge_index[1]
    return (node_keep[src] & node_keep[dst]).astype(jnp.float32)


def reference(x, edge_index, W_self, W_enc, b_enc, W_p1, W_p2, b_p2):
    src, dst = edge_index[0], edge_index[1]
    em = _dropout_node_edge_mask(edge_index)  # [E] 0/1 float mask == edge removal for sum-agg
    # ContextEncoder: sum-aggregate neighbor features (gather + scatter-add), then project
    msg = jnp.take(x, src, axis=0) * em[:, None]            # gather  [E, D]
    agg = jax.ops.segment_sum(msg, dst, num_segments=N)     # scatter-add [N, D]
    h = jax.nn.relu(x @ W_self + agg @ W_enc + b_enc)       # [N, HID]
    # ContextTargetPredictor applied num_targets times on (x, edge_index)
    outs = []
    for _ in range(T):
        m = h @ W_p1                                         # [N, D]
        msg2 = jnp.take(m, src, axis=0) * em[:, None]        # gather  [E, D]
        agg2 = jax.ops.segment_sum(msg2, dst, num_segments=N)  # scatter-add [N, D]
        v = jnp.tanh(agg2 @ W_p2 + b_p2)                     # [N, HID]
        outs.append(v)
    return jnp.stack(outs)  # [T, N, HID] (list e_u stacked)

if __name__ == "__main__":
    import jax
    _d = setup_inputs()
    print(jax.jit(kernel)(*tuple(_d.values())))

</pallas_src>

<mosaic_0001>
#map = affine_map<(d0, d1) -> (0, 0, 0, 0, 0)>
#map1 = affine_map<(d0, d1) -> (0, 0)>
#map2 = affine_map<(d0, d1) -> (0, 0, 0)>
module attributes {stable_mosaic.version = 14 : i64} {
  func.func @_sc_body(%arg0: i32, %arg1: i32, %arg2: memref<2x32x10x8x125xi32, #tpu.memory_space<hbm>>, %arg3: memref<10000x128xf32, #tpu.memory_space<hbm>>, %arg4: memref<632x128xf32, #tpu.memory_space<hbm>>, %arg5: memref<2x10112x128xf32, #tpu.memory_space<hbm>>, %arg6: memref<10x8x125xi32, #tpu.memory_space<vmem>>, %arg7: memref<2x8x125xi32, #tpu.memory_space<vmem>>, %arg8: memref<125x128xf32, #tpu.memory_space<vmem>>, %arg9: memref<125x128xf32, #tpu.memory_space<vmem>>, %arg10: memref<!tpu.dma_semaphore, #tpu.memory_space<semaphore_mem>>, %arg11: memref<!tpu.dma_semaphore, #tpu.memory_space<semaphore_mem>>, %arg12: memref<!tpu.dma_semaphore, #tpu.memory_space<semaphore_mem>>, %arg13: memref<10112x128xf32, #tpu.memory_space<vmem_shared>>) attributes {dimension_semantics = [#tpu.dimension_semantics<core_parallel>, #tpu.dimension_semantics<subcore_parallel>], iteration_bounds = array<i64: 2, 16>, scalar_prefetch = 0 : i64, scratch_operands = 8 : i64, tpu.core_type = #tpu.core_type<sc_vector_subcore>, window_params = [{transform_indices = #map}, {transform_indices = #map1}, {transform_indices = #map1}, {transform_indices = #map2}]} {
    %mul3A = arith.constant 16 : i32
    %mul3A_0 = arith.muli %arg0, %mul3A : i32
    %add3A = arith.addi %mul3A_0, %arg1 : i32
    %run_scoped3A = arith.constant 0 : i32
    "tpu.region"() ({
      %run_scoped3A_46 = tpu.sem_alloc : memref<!tpu.dma_semaphore, #tpu.memory_space<semaphore_mem>>
      %dma_start3A_47 = arith.constant 0 : i32
      %dma_start3A_48 = arith.constant 0 : i32
      %dma_start3A_49 = arith.constant 0 : i32
      %dma_start3A_50 = tpu.memref_slice %arg2[%run_scoped3A, %add3A, %dma_start3A_47, %dma_start3A_48, %dma_start3A_49] : memref<2x32x10x8x125xi32, #tpu.memory_space<hbm>> -> memref<1x1x10x8x125xi32, #tpu.memory_space<hbm>>
      %dma_start3A_51 = tpu.memref_squeeze %dma_start3A_50 : memref<1x1x10x8x125xi32, #tpu.memory_space<hbm>> -> memref<10x8x125xi32, #tpu.memory_space<hbm>>
      %dma_start3A_52 = arith.constant 0 : i32
      %dma_start3A_53 = arith.constant 0 : i32
      %dma_start3A_54 = arith.constant 0 : i32
      %dma_start3A_55 = tpu.memref_slice %arg2[%run_scoped3A, %add3A, %dma_start3A_52, %dma_start3A_53, %dma_start3A_54] : memref<2x32x10x8x125xi32, #tpu.memory_space<hbm>> -> memref<1x1x10x8x125xi32, #tpu.memory_space<hbm>>
      %dma_start3A_56 = tpu.memref_squeeze %dma_start3A_55 : memref<1x1x10x8x125xi32, #tpu.memory_space<hbm>> -> memref<10x8x125xi32, #tpu.memory_space<hbm>>
      tpu.enqueue_dma source(%dma_start3A_56 : memref<10x8x125xi32, #tpu.memory_space<hbm>>) target(%arg6 : memref<10x8x125xi32, #tpu.memory_space<vmem>>) target_semaphore(%run_scoped3A_46 : memref<!tpu.dma_semaphore, #tpu.memory_space<semaphore_mem>>)
      %dma_wait3A = arith.constant 0 : i32
      %dma_wait3A_57 = arith.constant 0 : i32
      %dma_wait3A_58 = arith.constant 0 : i32
      %dma_wait3A_59 = tpu.memref_slice %arg2[%run_scoped3A, %add3A, %dma_wait3A, %dma_wait3A_57, %dma_wait3A_58] : memref<2x32x10x8x125xi32, #tpu.memory_space<hbm>> -> memref<1x1x10x8x125xi32, #tpu.memory_space<hbm>>
      %dma_wait3A_60 = tpu.memref_squeeze %dma_wait3A_59 : memref<1x1x10x8x125xi32, #tpu.memory_space<hbm>> -> memref<10x8x125xi32, #tpu.memory_space<hbm>>
      %dma_wait3A_61 = arith.constant 0 : i32
      %dma_wait3A_62 = arith.constant 0 : i32
      %dma_wait3A_63 = arith.constant 0 : i32
      %dma_wait3A_64 = tpu.memref_slice %arg2[%run_scoped3A, %add3A, %dma_wait3A_61, %dma_wait3A_62, %dma_wait3A_63] : memref<2x32x10x8x125xi32, #tpu.memory_space<hbm>> -> memref<1x1x10x8x125xi32, #tpu.memory_space<hbm>>
      %dma_wait3A_65 = tpu.memref_squeeze %dma_wait3A_64 : memref<1x1x10x8x125xi32, #tpu.memory_space<hbm>> -> memref<10x8x125xi32, #tpu.memory_space<hbm>>
      tpu.wait_dma2 semaphore(%run_scoped3A_46 : memref<!tpu.dma_semaphore, #tpu.memory_space<semaphore_mem>>) src(%dma_wait3A_65 : memref<10x8x125xi32, #tpu.memory_space<hbm>>) dst(%arg6 : memref<10x8x125xi32, #tpu.memory_space<vmem>>)
      tpu.yield
    }) : () -> ()
    %mul3A_1 = arith.constant 632 : i32
    %mul3A_2 = arith.muli %arg1, %mul3A_1 : i32
    "tpu.region"() ({
      %run_scoped3A_46 = tpu.sem_alloc : memref<!tpu.dma_semaphore, #tpu.memory_space<semaphore_mem>>
      %dma_start3A_47 = arith.constant 0 : i32
      %dma_start3A_48 = tpu.memref_slice %arg13[%mul3A_2, %dma_start3A_47] : memref<10112x128xf32, #tpu.memory_space<vmem_shared>> -> memref<632x128xf32, #tpu.memory_space<vmem_shared>>
      tpu.enqueue_dma source(%arg4 : memref<632x128xf32, #tpu.memory_space<hbm>>) target(%dma_start3A_48 : memref<632x128xf32, #tpu.memory_space<vmem_shared>>) target_semaphore(%run_scoped3A_46 : memref<!tpu.dma_semaphore, #tpu.memory_space<semaphore_mem>>)
      %dma_wait3A = arith.constant 0 : i32
      %dma_wait3A_49 = tpu.memref_slice %arg13[%mul3A_2, %dma_wait3A] : memref<10112x128xf32, #tpu.memory_space<vmem_shared>> -> memref<632x128xf32, #tpu.memory_space<vmem_shared>>
      tpu.wait_dma2 semaphore(%run_scoped3A_46 : memref<!tpu.dma_semaphore, #tpu.memory_space<semaphore_mem>>) src(%arg4 : memref<632x128xf32, #tpu.memory_space<hbm>>) dst(%dma_wait3A_49 : memref<632x128xf32, #tpu.memory_space<vmem_shared>>)
      tpu.yield
    }) : () -> ()
    %dma_start3A = arith.constant 1 : i32
    %dma_start3A_3 = arith.constant 0 : i32
    %dma_start3A_4 = arith.constant 0 : i32
    %dma_start3A_5 = arith.constant 0 : i32
    %dma_start3A_6 = arith.constant 0 : i32
    %dma_start3A_7 = tpu.memref_slice %arg7[%dma_start3A_4, %dma_start3A_5, %dma_start3A_6] : memref<2x8x125xi32, #tpu.memory_space<vmem>> -> memref<1x8x125xi32, #tpu.memory_space<vmem>>
    %dma_start3A_8 = tpu.memref_squeeze %dma_start3A_7 : memref<1x8x125xi32, #tpu.memory_space<vmem>> -> memref<8x125xi32, #tpu.memory_space<vmem>>
    %dma_start3A_9 = arith.constant 0 : i32
    %dma_start3A_10 = arith.constant 0 : i32
    %dma_start3A_11 = tpu.memref_slice %arg2[%dma_start3A, %add3A, %dma_start3A_3, %dma_start3A_9, %dma_start3A_10] : memref<2x32x10x8x125xi32, #tpu.memory_space<hbm>> -> memref<1x1x1x8x125xi32, #tpu.memory_space<hbm>>
    %dma_start3A_12 = tpu.memref_squeeze %dma_start3A_11 : memref<1x1x1x8x125xi32, #tpu.memory_space<hbm>> -> memref<8x125xi32, #tpu.memory_space<hbm>>
    %dma_start3A_13 = arith.constant 0 : i32
    %dma_start3A_14 = arith.constant 0 : i32
    %dma_start3A_15 = tpu.memref_slice %arg7[%dma_start3A_4, %dma_start3A_13, %dma_start3A_14] : memref<2x8x125xi32, #tpu.memory_space<vmem>> -> memref<1x8x125xi32, #tpu.memory_space<vmem>>
    %dma_start3A_16 = tpu.memref_squeeze %dma_start3A_15 : memref<1x8x125xi32, #tpu.memory_space<vmem>> -> memref<8x125xi32, #tpu.memory_space<vmem>>
    %dma_start3A_17 = arith.constant 0 : i32
    %dma_start3A_18 = arith.constant 0 : i32
    %dma_start3A_19 = tpu.memref_slice %arg2[%dma_start3A, %add3A, %dma_start3A_3, %dma_start3A_17, %dma_start3A_18] : memref<2x32x10x8x125xi32, #tpu.memory_space<hbm>> -> memref<1x1x1x8x125xi32, #tpu.memory_space<hbm>>
    %dma_start3A_20 = tpu.memref_squeeze %dma_start3A_19 : memref<1x1x1x8x125xi32, #tpu.memory_space<hbm>> -> memref<8x125xi32, #tpu.memory_space<hbm>>
    tpu.enqueue_dma source(%dma_start3A_20 : memref<8x125xi32, #tpu.memory_space<hbm>>) target(%dma_start3A_16 : memref<8x125xi32, #tpu.memory_space<vmem>>) target_semaphore(%arg10 : memref<!tpu.dma_semaphore, #tpu.memory_space<semaphore_mem>>)
    %dma_start3A_21 = arith.constant 0 : i32
    %dma_start3A_22 = arith.constant 0 : i32
    %dma_start3A_23 = arith.constant 0 : i32
    %dma_start3A_24 = tpu.memref_slice %arg6[%dma_start3A_21, %dma_start3A_22, %dma_start3A_23] : memref<10x8x125xi32, #tpu.memory_space<vmem>> -> memref<1x1x125xi32, #tpu.memory_space<vmem>>
    %dma_start3A_25 = tpu.memref_squeeze %dma_start3A_24 : memref<1x1x125xi32, #tpu.memory_space<vmem>> -> memref<125xi32, #tpu.memory_space<vmem>>
    %dma_start3A_26 = arith.constant 0 : i32
    %dma_start3A_27 = arith.constant 0 : i32
    %dma_start3A_28 = tpu.memref_slice %arg3[%dma_start3A_26, %dma_start3A_27] : memref<10000x128xf32, #tpu.memory_space<hbm>> -> memref<10000x128xf32, #tpu.memory_space<hbm>>
    tpu.enqueue_indirect_dma source(%dma_start3A_28 : memref<10000x128xf32, #tpu.memory_space<hbm>>) target(%arg8 : memref<125x128xf32, #tpu.memory_space<vmem>>) offsets(%dma_start3A_25 : memref<125xi32, #tpu.memory_space<vmem>>) semaphore(%arg11 : memref<!tpu.dma_semaphore, #tpu.memory_space<semaphore_mem>>)
    %dma_start3A_29 = arith.constant 0 : i32
    %dma_start3A_30 = arith.constant 1 : i32
    %dma_start3A_31 = arith.constant 0 : i32
    %dma_start3A_32 = tpu.memref_slice %arg6[%dma_start3A_29, %dma_start3A_30, %dma_start3A_31] : memref<10x8x125xi32, #tpu.memory_space<vmem>> -> memref<1x1x125xi32, #tpu.memory_space<vmem>>
    %dma_start3A_33 = tpu.memref_squeeze %dma_start3A_32 : memref<1x1x125xi32, #tpu.memory_space<vmem>> -> memref<125xi32, #tpu.memory_space<vmem>>
    %dma_start3A_34 = arith.constant 0 : i32
    %dma_start3A_35 = arith.constant 0 : i32
    %dma_start3A_36 = tpu.memref_slice %arg3[%dma_start3A_34, %dma_start3A_35] : memref<10000x128xf32, #tpu.memory_space<hbm>> -> memref<10000x128xf32, #tpu.memory_space<hbm>>
    tpu.enqueue_indirect_dma source(%dma_start3A_36 : memref<10000x128xf32, #tpu.memory_space<hbm>>) target(%arg9 : memref<125x128xf32, #tpu.memory_space<vmem>>) offsets(%dma_start3A_33 : memref<125xi32, #tpu.memory_space<vmem>>) semaphore(%arg12 : memref<!tpu.dma_semaphore, #tpu.memory_space<semaphore_mem>>)
    %barrier3A = arith.constant 0 : index
    tpu.barrier barrier_id(%barrier3A)
    %scan3A = arith.constant 0 : i32
    %scan3A_37 = arith.constant 10 : i32
    %scan3A_38 = arith.addi %scan3A, %scan3A_37 : i32
    %scan3A_39 = arith.constant 1 : i32
    scf.for %scan3A_46 = %scan3A to %scan3A_38 step %scan3A_39  : i32 {
      %rem3A = arith.constant 2 : i32
      %rem3A_47 = arith.remsi %scan3A_46, %rem3A : i32
      %dma_wait3A = arith.constant 1 : i32
      %dma_wait3A_48 = arith.constant 0 : i32
      %dma_wait3A_49 = arith.constant 0 : i32
      %dma_wait3A_50 = tpu.memref_slice %arg7[%rem3A_47, %dma_wait3A_48, %dma_wait3A_49] : memref<2x8x125xi32, #tpu.memory_space<vmem>> -> memref<1x8x125xi32, #tpu.memory_space<vmem>>
      %dma_wait3A_51 = tpu.memref_squeeze %dma_wait3A_50 : memref<1x8x125xi32, #tpu.memory_space<vmem>> -> memref<8x125xi32, #tpu.memory_space<vmem>>
      %dma_wait3A_52 = arith.constant 0 : i32
      %dma_wait3A_53 = arith.constant 0 : i32
      %dma_wait3A_54 = tpu.memref_slice %arg2[%dma_wait3A, %add3A, %scan3A_46, %dma_wait3A_52, %dma_wait3A_53] : memref<2x32x10x8x125xi32, #tpu.memory_space<hbm>> -> memref<1x1x1x8x125xi32, #tpu.memory_space<hbm>>
      %dma_wait3A_55 = tpu.memref_squeeze %dma_wait3A_54 : memref<1x1x1x8x125xi32, #tpu.memory_space<hbm>> -> memref<8x125xi32, #tpu.memory_space<hbm>>
      %dma_wait3A_56 = arith.constant 0 : i32
      %dma_wait3A_57 = arith.constant 0 : i32
      %dma_wait3A_58 = tpu.memref_slice %arg7[%rem3A_47, %dma_wait3A_56, %dma_wait3A_57] : memref<2x8x125xi32, #tpu.memory_space<vmem>> -> memref<1x8x125xi32, #tpu.memory_space<vmem>>
      %dma_wait3A_59 = tpu.memref_squeeze %dma_wait3A_58 : memref<1x8x125xi32, #tpu.memory_space<vmem>> -> memref<8x125xi32, #tpu.memory_space<vmem>>
      %dma_wait3A_60 = arith.constant 0 : i32
      %dma_wait3A_61 = arith.constant 0 : i32
      %dma_wait3A_62 = tpu.memref_slice %arg2[%dma_wait3A, %add3A, %scan3A_46, %dma_wait3A_60, %dma_wait3A_61] : memref<2x32x10x8x125xi32, #tpu.memory_space<hbm>> -> memref<1x1x1x8x125xi32, #tpu.memory_space<hbm>>
      %dma_wait3A_63 = tpu.memref_squeeze %dma_wait3A_62 : memref<1x1x1x8x125xi32, #tpu.memory_space<hbm>> -> memref<8x125xi32, #tpu.memory_space<hbm>>
      tpu.wait_dma2 semaphore(%arg10 : memref<!tpu.dma_semaphore, #tpu.memory_space<semaphore_mem>>) src(%dma_wait3A_63 : memref<8x125xi32, #tpu.memory_space<hbm>>) dst(%dma_wait3A_59 : memref<8x125xi32, #tpu.memory_space<vmem>>)
      %add3A_64 = arith.constant 1 : i32
      %add3A_65 = arith.addi %scan3A_46, %add3A_64 : i32
      %lt3A = arith.constant 10 : i32
      %lt3A_66 = arith.cmpi slt, %add3A_65, %lt3A : i32
      %convert_element_type3A = arith.extui %lt3A_66 : i1 to i32
      %cond3A = arith.constant 0 : i32
      %cond3A_67 = arith.cmpi ne, %convert_element_type3A, %cond3A : i32
      scf.if %cond3A_67 {
        %add3A_220 = arith.constant 1 : i32
        %add3A_221 = arith.addi %scan3A_46, %add3A_220 : i32
        %sub3A = arith.constant 1 : i32
        %sub3A_222 = arith.subi %sub3A, %rem3A_47 : i32
        %dma_start3A_223 = arith.constant 1 : i32
        %dma_start3A_224 = arith.constant 0 : i32
        %dma_start3A_225 = arith.constant 0 : i32
        %dma_start3A_226 = tpu.memref_slice %arg7[%sub3A_222, %dma_start3A_224, %dma_start3A_225] : memref<2x8x125xi32, #tpu.memory_space<vmem>> -> memref<1x8x125xi32, #tpu.memory_space<vmem>>
        %dma_start3A_227 = tpu.memref_squeeze %dma_start3A_226 : memref<1x8x125xi32, #tpu.memory_space<vmem>> -> memref<8x125xi32, #tpu.memory_space<vmem>>
        %dma_start3A_228 = arith.constant 0 : i32
        %dma_start3A_229 = arith.constant 0 : i32
        %dma_start3A_230 = tpu.memref_slice %arg2[%dma_start3A_223, %add3A, %add3A_221, %dma_start3A_228, %dma_start3A_229] : memref<2x32x10x8x125xi32, #tpu.memory_space<hbm>> -> memref<1x1x1x8x125xi32, #tpu.memory_space<hbm>>
        %dma_start3A_231 = tpu.memref_squeeze %dma_start3A_230 : memref<1x1x1x8x125xi32, #tpu.memory_space<hbm>> -> memref<8x125xi32, #tpu.memory_space<hbm>>
        %dma_start3A_232 = arith.constant 0 : i32
        %dma_start3A_233 = arith.constant 0 : i32
        %dma_start3A_234 = tpu.memref_slice %arg7[%sub3A_222, %dma_start3A_232, %dma_start3A_233] : memref<2x8x125xi32, #tpu.memory_space<vmem>> -> memref<1x8x125xi32, #tpu.memory_space<vmem>>
        %dma_start3A_235 = tpu.memref_squeeze %dma_start3A_234 : memref<1x8x125xi32, #tpu.memory_space<vmem>> -> memref<8x125xi32, #tpu.memory_space<vmem>>
        %dma_start3A_236 = arith.constant 0 : i32
        %dma_start3A_237 = arith.constant 0 : i32
        %dma_start3A_238 = tpu.memref_slice %arg2[%dma_start3A_223, %add3A, %add3A_221, %dma_start3A_236, %dma_start3A_237] : memref<2x32x10x8x125xi32, #tpu.memory_space<hbm>> -> memref<1x1x1x8x125xi32, #tpu.memory_space<hbm>>
        %dma_start3A_239 = tpu.memref_squeeze %dma_start3A_238 : memref<1x1x1x8x125xi32, #tpu.memory_space<hbm>> -> memref<8x125xi32, #tpu.memory_space<hbm>>
        tpu.enqueue_dma source(%dma_start3A_239 : memref<8x125xi32, #tpu.memory_space<hbm>>) target(%dma_start3A_235 : memref<8x125xi32, #tpu.memory_space<vmem>>) target_semaphore(%arg10 : memref<!tpu.dma_semaphore, #tpu.memory_space<semaphore_mem>>)
      } else {
      }
      %dma_wait3A_68 = arith.constant 0 : i32
      %dma_wait3A_69 = arith.constant 0 : i32
      %dma_wait3A_70 = tpu.memref_slice %arg6[%scan3A_46, %dma_wait3A_68, %dma_wait3A_69] : memref<10x8x125xi32, #tpu.memory_space<vmem>> -> memref<1x1x125xi32, #tpu.memory_space<vmem>>
      %dma_wait3A_71 = tpu.memref_squeeze %dma_wait3A_70 : memref<1x1x125xi32, #tpu.memory_space<vmem>> -> memref<125xi32, #tpu.memory_space<vmem>>
      %dma_wait3A_72 = arith.constant 0 : i32
      %dma_wait3A_73 = arith.constant 0 : i32
      %dma_wait3A_74 = tpu.memref_slice %arg3[%dma_wait3A_72, %dma_wait3A_73] : memref<10000x128xf32, #tpu.memory_space<hbm>> -> memref<10000x128xf32, #tpu.memory_space<hbm>>
      tpu.wait_indirect_dma semaphore(%arg11 : memref<!tpu.dma_semaphore, #tpu.memory_space<semaphore_mem>>) src(%dma_wait3A_74 : memref<10000x128xf32, #tpu.memory_space<hbm>>) dst(%arg8 : memref<125x128xf32, #tpu.memory_space<vmem>>)
      %run_scoped3A_75 = arith.constant 0 : i32
      "tpu.region"() ({
        %run_scoped3A_220 = tpu.sem_alloc : memref<!tpu.dma_semaphore, #tpu.memory_space<semaphore_mem>>
        %dma_start3A_221 = arith.constant 0 : i32
        %dma_start3A_222 = tpu.memref_slice %arg7[%rem3A_47, %run_scoped3A_75, %dma_start3A_221] : memref<2x8x125xi32, #tpu.memory_space<vmem>> -> memref<1x1x125xi32, #tpu.memory_space<vmem>>
        %dma_start3A_223 = tpu.memref_squeeze %dma_start3A_222 : memref<1x1x125xi32, #tpu.memory_space<vmem>> -> memref<125xi32, #tpu.memory_space<vmem>>
        %dma_start3A_224 = arith.constant 0 : i32
        %dma_start3A_225 = arith.constant 0 : i32
        %dma_start3A_226 = tpu.memref_slice %arg13[%dma_start3A_224, %dma_start3A_225] : memref<10112x128xf32, #tpu.memory_space<vmem_shared>> -> memref<10112x128xf32, #tpu.memory_space<vmem_shared>>
        tpu.enqueue_indirect_dma source(%arg8 : memref<125x128xf32, #tpu.memory_space<vmem>>) target(%dma_start3A_226 : memref<10112x128xf32, #tpu.memory_space<vmem_shared>>) offsets(%dma_start3A_223 : memref<125xi32, #tpu.memory_space<vmem>>) semaphore(%run_scoped3A_220 : memref<!tpu.dma_semaphore, #tpu.memory_space<semaphore_mem>>) {add = true}
        %dma_wait3A_227 = arith.constant 0 : i32
        %dma_wait3A_228 = tpu.memref_slice %arg7[%rem3A_47, %run_scoped3A_75, %dma_wait3A_227] : memref<2x8x125xi32, #tpu.memory_space<vmem>> -> memref<1x1x125xi32, #tpu.memory_space<vmem>>
        %dma_wait3A_229 = tpu.memref_squeeze %dma_wait3A_228 : memref<1x1x125xi32, #tpu.memory_space<vmem>> -> memref<125xi32, #tpu.memory_space<vmem>>
        %dma_wait3A_230 = arith.constant 0 : i32
        %dma_wait3A_231 = arith.constant 0 : i32
        %dma_wait3A_232 = tpu.memref_slice %arg13[%dma_wait3A_230, %dma_wait3A_231] : memref<10112x128xf32, #tpu.memory_space<vmem_shared>> -> memref<10112x128xf32, #tpu.memory_space<vmem_shared>>
        tpu.wait_indirect_dma semaphore(%run_scoped3A_220 : memref<!tpu.dma_semaphore, #tpu.memory_space<semaphore_mem>>) src(%arg8 : memref<125x128xf32, #tpu.memory_space<vmem>>) dst(%dma_wait3A_232 : memref<10112x128xf32, #tpu.memory_space<vmem_shared>>)
        tpu.yield
      }) : () -> ()
      %mul3A_76 = arith.constant 8 : i32
      %mul3A_77 = arith.muli %scan3A_46, %mul3A_76 : i32
      %add3A_78 = arith.constant 0 : i32
      %add3A_79 = arith.addi %mul3A_77, %add3A_78 : i32
      %add3A_80 = arith.constant 2 : i32
      %add3A_81 = arith.addi %add3A_79, %add3A_80 : i32
      %lt3A_82 = arith.constant 80 : i32
      %lt3A_83 = arith.cmpi slt, %add3A_81, %lt3A_82 : i32
      %convert_element_type3A_84 = arith.extui %lt3A_83 : i1 to i32
      %cond3A_85 = arith.constant 0 : i32
      %cond3A_86 = arith.cmpi ne, %convert_element_type3A_84, %cond3A_85 : i32
      scf.if %cond3A_86 {
        %mul3A_220 = arith.constant 8 : i32
        %mul3A_221 = arith.muli %scan3A_46, %mul3A_220 : i32
        %add3A_222 = arith.constant 0 : i32
        %add3A_223 = arith.addi %mul3A_221, %add3A_222 : i32
        %add3A_224 = arith.constant 2 : i32
        %add3A_225 = arith.addi %add3A_223, %add3A_224 : i32
        %jit3A = arith.constant 8 : i32
        %div3A = arith.divsi %add3A_225, %jit3A : i32
        %sign3A = arith.constant 0 : i32
        %sign3A_226 = arith.cmpi sgt, %add3A_225, %sign3A : i32
        %sign3A_227 = arith.extui %sign3A_226 : i1 to i32
        %sign3A_228 = arith.constant 0 : i32
        %sign3A_229 = arith.cmpi slt, %add3A_225, %sign3A_228 : i32
        %sign3A_230 = arith.extui %sign3A_229 : i1 to i32
        %sign3A_231 = arith.subi %sign3A_227, %sign3A_230 : i32
        %sign3A_232 = arith.constant 0 : i32
        %sign3A_233 = arith.cmpi sgt, %jit3A, %sign3A_232 : i32
        %sign3A_234 = arith.extui %sign3A_233 : i1 to i32
        %sign3A_235 = arith.constant 0 : i32
        %sign3A_236 = arith.cmpi slt, %jit3A, %sign3A_235 : i32
        %sign3A_237 = arith.extui %sign3A_236 : i1 to i32
        %sign3A_238 = arith.subi %sign3A_234, %sign3A_237 : i32
        %ne3A = arith.cmpi ne, %sign3A_231, %sign3A_238 : i32
        %rem3A_239 = arith.remsi %add3A_225, %jit3A : i32
        %ne3A_240 = arith.constant 0 : i32
        %ne3A_241 = arith.cmpi ne, %rem3A_239, %ne3A_240 : i32
        %and3A = arith.andi %ne3A, %ne3A_241 : i1
        %sub3A = arith.constant 1 : i32
        %sub3A_242 = arith.subi %div3A, %sub3A : i32
        %select_n3A = arith.select %and3A, %sub3A_242, %div3A : i32
        %dma_start3A_243 = arith.constant 2 : i32
        %dma_start3A_244 = arith.constant 0 : i32
        %dma_start3A_245 = tpu.memref_slice %arg6[%select_n3A, %dma_start3A_243, %dma_start3A_244] : memref<10x8x125xi32, #tpu.memory_space<vmem>> -> memref<1x1x125xi32, #tpu.memory_space<vmem>>
        %dma_start3A_246 = tpu.memref_squeeze %dma_start3A_245 : memref<1x1x125xi32, #tpu.memory_space<vmem>> -> memref<125xi32, #tpu.memory_space<vmem>>
        %dma_start3A_247 = arith.constant 0 : i32
        %dma_start3A_248 = arith.constant 0 : i32
        %dma_start3A_249 = tpu.memref_slice %arg3[%dma_start3A_247, %dma_start3A_248] : memref<10000x128xf32, #tpu.memory_space<hbm>> -> memref<10000x128xf32, #tpu.memory_space<hbm>>
        tpu.enqueue_indirect_dma source(%dma_start3A_249 : memref<10000x128xf32, #tpu.memory_space<hbm>>) target(%arg8 : memref<125x128xf32, #tpu.memory_space<vmem>>) offsets(%dma_start3A_246 : memref<125xi32, #tpu.memory_space<vmem>>) semaphore(%arg11 : memref<!tpu.dma_semaphore, #tpu.memory_space<semaphore_mem>>)
      } else {
      }
      %dma_wait3A_87 = arith.constant 1 : i32
      %dma_wait3A_88 = arith.constant 0 : i32
      %dma_wait3A_89 = tpu.memref_slice %arg6[%scan3A_46, %dma_wait3A_87, %dma_wait3A_88] : memref<10x8x125xi32, #tpu.memory_space<vmem>> -> memref<1x1x125xi32, #tpu.memory_space<vmem>>
      %dma_wait3A_90 = tpu.memref_squeeze %dma_wait3A_89 : memref<1x1x125xi32, #tpu.memory_space<vmem>> -> memref<125xi32, #tpu.memory_space<vmem>>
      %dma_wait3A_91 = arith.constant 0 : i32
      %dma_wait3A_92 = arith.constant 0 : i32
      %dma_wait3A_93 = tpu.memref_slice %arg3[%dma_wait3A_91, %dma_wait3A_92] : memref<10000x128xf32, #tpu.memory_space<hbm>> -> memref<10000x128xf32, #tpu.memory_space<hbm>>
      tpu.wait_indirect_dma semaphore(%arg12 : memref<!tpu.dma_semaphore, #tpu.memory_space<semaphore_mem>>) src(%dma_wait3A_93 : memref<10000x128xf32, #tpu.memory_space<hbm>>) dst(%arg9 : memref<125x128xf32, #tpu.memory_space<vmem>>)
      %run_scoped3A_94 = arith.constant 1 : i32
      "tpu.region"() ({
        %run_scoped3A_220 = tpu.sem_alloc : memref<!tpu.dma_semaphore, #tpu.memory_space<semaphore_mem>>
        %dma_start3A_221 = arith.constant 0 : i32
        %dma_start3A_222 = tpu.memref_slice %arg7[%rem3A_47, %run_scoped3A_94, %dma_start3A_221] : memref<2x8x125xi32, #tpu.memory_space<vmem>> -> memref<1x1x125xi32, #tpu.memory_space<vmem>>
        %dma_start3A_223 = tpu.memref_squeeze %dma_start3A_222 : memref<1x1x125xi32, #tpu.memory_space<vmem>> -> memref<125xi32, #tpu.memory_space<vmem>>
        %dma_start3A_224 = arith.constant 0 : i32
        %dma_start3A_225 = arith.constant 0 : i32
        %dma_start3A_226 = tpu.memref_slice %arg13[%dma_start3A_224, %dma_start3A_225] : memref<10112x128xf32, #tpu.memory_space<vmem_shared>> -> memref<10112x128xf32, #tpu.memory_space<vmem_shared>>
        tpu.enqueue_indirect_dma source(%arg9 : memref<125x128xf32, #tpu.memory_space<vmem>>) target(%dma_start3A_226 : memref<10112x128xf32, #tpu.memory_space<vmem_shared>>) offsets(%dma_start3A_223 : memref<125xi32, #tpu.memory_space<vmem>>) semaphore(%run_scoped3A_220 : memref<!tpu.dma_semaphore, #tpu.memory_space<semaphore_mem>>) {add = true}
        %dma_wait3A_227 = arith.constant 0 : i32
        %dma_wait3A_228 = tpu.memref_slice %arg7[%rem3A_47, %run_scoped3A_94, %dma_wait3A_227] : memref<2x8x125xi32, #tpu.memory_space<vmem>> -> memref<1x1x125xi32, #tpu.memory_space<vmem>>
        %dma_wait3A_229 = tpu.memref_squeeze %dma_wait3A_228 : memref<1x1x125xi32, #tpu.memory_space<vmem>> -> memref<125xi32, #tpu.memory_space<vmem>>
        %dma_wait3A_230 = arith.constant 0 : i32
        %dma_wait3A_231 = arith.constant 0 : i32
        %dma_wait3A_232 = tpu.memref_slice %arg13[%dma_wait3A_230, %dma_wait3A_231] : memref<10112x128xf32, #tpu.memory_space<vmem_shared>> -> memref<10112x128xf32, #tpu.memory_space<vmem_shared>>
        tpu.wait_indirect_dma semaphore(%run_scoped3A_220 : memref<!tpu.dma_semaphore, #tpu.memory_space<semaphore_mem>>) src(%arg9 : memref<125x128xf32, #tpu.memory_space<vmem>>) dst(%dma_wait3A_232 : memref<10112x128xf32, #tpu.memory_space<vmem_shared>>)
        tpu.yield
      }) : () -> ()
      %mul3A_95 = arith.constant 8 : i32
      %mul3A_96 = arith.muli %scan3A_46, %mul3A_95 : i32
      %add3A_97 = arith.constant 1 : i32
      %add3A_98 = arith.addi %mul3A_96, %add3A_97 : i32
      %add3A_99 = arith.constant 2 : i32
      %add3A_100 = arith.addi %add3A_98, %add3A_99 : i32
      %lt3A_101 = arith.constant 80 : i32
      %lt3A_102 = arith.cmpi slt, %add3A_100, %lt3A_101 : i32
      %convert_element_type3A_103 = arith.extui %lt3A_102 : i1 to i32
      %cond3A_104 = arith.constant 0 : i32
      %cond3A_105 = arith.cmpi ne, %convert_element_type3A_103, %cond3A_104 : i32
      scf.if %cond3A_105 {
        %mul3A_220 = arith.constant 8 : i32
        %mul3A_221 = arith.muli %scan3A_46, %mul3A_220 : i32
        %add3A_222 = arith.constant 1 : i32
        %add3A_223 = arith.addi %mul3A_221, %add3A_222 : i32
        %add3A_224 = arith.constant 2 : i32
        %add3A_225 = arith.addi %add3A_223, %add3A_224 : i32
        %jit3A = arith.constant 8 : i32
        %div3A = arith.divsi %add3A_225, %jit3A : i32
        %sign3A = arith.constant 0 : i32
        %sign3A_226 = arith.cmpi sgt, %add3A_225, %sign3A : i32
        %sign3A_227 = arith.extui %sign3A_226 : i1 to i32
        %sign3A_228 = arith.constant 0 : i32
        %sign3A_229 = arith.cmpi slt, %add3A_225, %sign3A_228 : i32
        %sign3A_230 = arith.extui %sign3A_229 : i1 to i32
        %sign3A_231 = arith.subi %sign3A_227, %sign3A_230 : i32
        %sign3A_232 = arith.constant 0 : i32
        %sign3A_233 = arith.cmpi sgt, %jit3A, %sign3A_232 : i32
        %sign3A_234 = arith.extui %sign3A_233 : i1 to i32
        %sign3A_235 = arith.constant 0 : i32
        %sign3A_236 = arith.cmpi slt, %jit3A, %sign3A_235 : i32
        %sign3A_237 = arith.extui %sign3A_236 : i1 to i32
        %sign3A_238 = arith.subi %sign3A_234, %sign3A_237 : i32
        %ne3A = arith.cmpi ne, %sign3A_231, %sign3A_238 : i32
        %rem3A_239 = arith.remsi %add3A_225, %jit3A : i32
        %ne3A_240 = arith.constant 0 : i32
        %ne3A_241 = arith.cmpi ne, %rem3A_239, %ne3A_240 : i32
        %and3A = arith.andi %ne3A, %ne3A_241 : i1
        %sub3A = arith.constant 1 : i32
        %sub3A_242 = arith.subi %div3A, %sub3A : i32
        %select_n3A = arith.select %and3A, %sub3A_242, %div3A : i32
        %dma_start3A_243 = arith.constant 3 : i32
        %dma_start3A_244 = arith.constant 0 : i32
        %dma_start3A_245 = tpu.memref_slice %arg6[%select_n3A, %dma_start3A_243, %dma_start3A_244] : memref<10x8x125xi32, #tpu.memory_space<vmem>> -> memref<1x1x125xi32, #tpu.memory_space<vmem>>
        %dma_start3A_246 = tpu.memref_squeeze %dma_start3A_245 : memref<1x1x125xi32, #tpu.memory_space<vmem>> -> memref<125xi32, #tpu.memory_space<vmem>>
        %dma_start3A_247 = arith.constant 0 : i32
        %dma_start3A_248 = arith.constant 0 : i32
        %dma_start3A_249 = tpu.memref_slice %arg3[%dma_start3A_247, %dma_start3A_248] : memref<10000x128xf32, #tpu.memory_space<hbm>> -> memref<10000x128xf32, #tpu.memory_space<hbm>>
        tpu.enqueue_indirect_dma source(%dma_start3A_249 : memref<10000x128xf32, #tpu.memory_space<hbm>>) target(%arg9 : memref<125x128xf32, #tpu.memory_space<vmem>>) offsets(%dma_start3A_246 : memref<125xi32, #tpu.memory_space<vmem>>) semaphore(%arg12 : memref<!tpu.dma_semaphore, #tpu.memory_space<semaphore_mem>>)
      } else {
      }
      %dma_wait3A_106 = arith.constant 2 : i32
      %dma_wait3A_107 = arith.constant 0 : i32
      %dma_wait3A_108 = tpu.memref_slice %arg6[%scan3A_46, %dma_wait3A_106, %dma_wait3A_107] : memref<10x8x125xi32, #tpu.memory_space<vmem>> -> memref<1x1x125xi32, #tpu.memory_space<vmem>>
      %dma_wait3A_109 = tpu.memref_squeeze %dma_wait3A_108 : memref<1x1x125xi32, #tpu.memory_space<vmem>> -> memref<125xi32, #tpu.memory_space<vmem>>
      %dma_wait3A_110 = arith.constant 0 : i32
      %dma_wait3A_111 = arith.constant 0 : i32
      %dma_wait3A_112 = tpu.memref_slice %arg3[%dma_wait3A_110, %dma_wait3A_111] : memref<10000x128xf32, #tpu.memory_space<hbm>> -> memref<10000x128xf32, #tpu.memory_space<hbm>>
      tpu.wait_indirect_dma semaphore(%arg11 : memref<!tpu.dma_semaphore, #tpu.memory_space<semaphore_mem>>) src(%dma_wait3A_112 : memref<10000x128xf32, #tpu.memory_space<hbm>>) dst(%arg8 : memref<125x128xf32, #tpu.memory_space<vmem>>)
      %run_scoped3A_113 = arith.constant 2 : i32
      "tpu.region"() ({
        %run_scoped3A_220 = tpu.sem_alloc : memref<!tpu.dma_semaphore, #tpu.memory_space<semaphore_mem>>
        %dma_start3A_221 = arith.constant 0 : i32
        %dma_start3A_222 = tpu.memref_slice %arg7[%rem3A_47, %run_scoped3A_113, %dma_start3A_221] : memref<2x8x125xi32, #tpu.memory_space<vmem>> -> memref<1x1x125xi32, #tpu.memory_space<vmem>>
        %dma_start3A_223 = tpu.memref_squeeze %dma_start3A_222 : memref<1x1x125xi32, #tpu.memory_space<vmem>> -> memref<125xi32, #tpu.memory_space<vmem>>
        %dma_start3A_224 = arith.constant 0 : i32
        %dma_start3A_225 = arith.constant 0 : i32
        %dma_start3A_226 = tpu.memref_slice %arg13[%dma_start3A_224, %dma_start3A_225] : memref<10112x128xf32, #tpu.memory_space<vmem_shared>> -> memref<10112x128xf32, #tpu.memory_space<vmem_shared>>
        tpu.enqueue_indirect_dma source(%arg8 : memref<125x128xf32, #tpu.memory_space<vmem>>) target(%dma_start3A_226 : memref<10112x128xf32, #tpu.memory_space<vmem_shared>>) offsets(%dma_start3A_223 : memref<125xi32, #tpu.memory_space<vmem>>) semaphore(%run_scoped3A_220 : memref<!tpu.dma_semaphore, #tpu.memory_space<semaphore_mem>>) {add = true}
        %dma_wait3A_227 = arith.constant 0 : i32
        %dma_wait3A_228 = tpu.memref_slice %arg7[%rem3A_47, %run_scoped3A_113, %dma_wait3A_227] : memref<2x8x125xi32, #tpu.memory_space<vmem>> -> memref<1x1x125xi32, #tpu.memory_space<vmem>>
        %dma_wait3A_229 = tpu.memref_squeeze %dma_wait3A_228 : memref<1x1x125xi32, #tpu.memory_space<vmem>> -> memref<125xi32, #tpu.memory_space<vmem>>
        %dma_wait3A_230 = arith.constant 0 : i32
        %dma_wait3A_231 = arith.constant 0 : i32
        %dma_wait3A_232 = tpu.memref_slice %arg13[%dma_wait3A_230, %dma_wait3A_231] : memref<10112x128xf32, #tpu.memory_space<vmem_shared>> -> memref<10112x128xf32, #tpu.memory_space<vmem_shared>>
        tpu.wait_indirect_dma semaphore(%run_scoped3A_220 : memref<!tpu.dma_semaphore, #tpu.memory_space<semaphore_mem>>) src(%arg8 : memref<125x128xf32, #tpu.memory_space<vmem>>) dst(%dma_wait3A_232 : memref<10112x128xf32, #tpu.memory_space<vmem_shared>>)
        tpu.yield
      }) : () -> ()
      %mul3A_114 = arith.constant 8 : i32
      %mul3A_115 = arith.muli %scan3A_46, %mul3A_114 : i32
      %add3A_116 = arith.constant 2 : i32
      %add3A_117 = arith.addi %mul3A_115, %add3A_116 : i32
      %add3A_118 = arith.constant 2 : i32
      %add3A_119 = arith.addi %add3A_117, %add3A_118 : i32
      %lt3A_120 = arith.constant 80 : i32
      %lt3A_121 = arith.cmpi slt, %add3A_119, %lt3A_120 : i32
      %convert_element_type3A_122 = arith.extui %lt3A_121 : i1 to i32
      %cond3A_123 = arith.constant 0 : i32
      %cond3A_124 = arith.cmpi ne, %convert_element_type3A_122, %cond3A_123 : i32
      scf.if %cond3A_124 {
        %mul3A_220 = arith.constant 8 : i32
        %mul3A_221 = arith.muli %scan3A_46, %mul3A_220 : i32
        %add3A_222 = arith.constant 2 : i32
        %add3A_223 = arith.addi %mul3A_221, %add3A_222 : i32
        %add3A_224 = arith.constant 2 : i32
        %add3A_225 = arith.addi %add3A_223, %add3A_224 : i32
        %jit3A = arith.constant 8 : i32
        %div3A = arith.divsi %add3A_225, %jit3A : i32
        %sign3A = arith.constant 0 : i32
        %sign3A_226 = arith.cmpi sgt, %add3A_225, %sign3A : i32
        %sign3A_227 = arith.extui %sign3A_226 : i1 to i32
        %sign3A_228 = arith.constant 0 : i32
        %sign3A_229 = arith.cmpi slt, %add3A_225, %sign3A_228 : i32
        %sign3A_230 = arith.extui %sign3A_229 : i1 to i32
        %sign3A_231 = arith.subi %sign3A_227, %sign3A_230 : i32
        %sign3A_232 = arith.constant 0 : i32
        %sign3A_233 = arith.cmpi sgt, %jit3A, %sign3A_232 : i32
        %sign3A_234 = arith.extui %sign3A_233 : i1 to i32
        %sign3A_235 = arith.constant 0 : i32
        %sign3A_236 = arith.cmpi slt, %jit3A, %sign3A_235 : i32
        %sign3A_237 = arith.extui %sign3A_236 : i1 to i32
        %sign3A_238 = arith.subi %sign3A_234, %sign3A_237 : i32
        %ne3A = arith.cmpi ne, %sign3A_231, %sign3A_238 : i32
        %rem3A_239 = arith.remsi %add3A_225, %jit3A : i32
        %ne3A_240 = arith.constant 0 : i32
        %ne3A_241 = arith.cmpi ne, %rem3A_239, %ne3A_240 : i32
        %and3A = arith.andi %ne3A, %ne3A_241 : i1
        %sub3A = arith.constant 1 : i32
        %sub3A_242 = arith.subi %div3A, %sub3A : i32
        %select_n3A = arith.select %and3A, %sub3A_242, %div3A : i32
        %dma_start3A_243 = arith.constant 4 : i32
        %dma_start3A_244 = arith.constant 0 : i32
        %dma_start3A_245 = tpu.memref_slice %arg6[%select_n3A, %dma_start3A_243, %dma_start3A_244] : memref<10x8x125xi32, #tpu.memory_space<vmem>> -> memref<1x1x125xi32, #tpu.memory_space<vmem>>
        %dma_start3A_246 = tpu.memref_squeeze %dma_start3A_245 : memref<1x1x125xi32, #tpu.memory_space<vmem>> -> memref<125xi32, #tpu.memory_space<vmem>>
        %dma_start3A_247 = arith.constant 0 : i32
        %dma_start3A_248 = arith.constant 0 : i32
        %dma_start3A_249 = tpu.memref_slice %arg3[%dma_start3A_247, %dma_start3A_248] : memref<10000x128xf32, #tpu.memory_space<hbm>> -> memref<10000x128xf32, #tpu.memory_space<hbm>>
        tpu.enqueue_indirect_dma source(%dma_start3A_249 : memref<10000x128xf32, #tpu.memory_space<hbm>>) target(%arg8 : memref<125x128xf32, #tpu.memory_space<vmem>>) offsets(%dma_start3A_246 : memref<125xi32, #tpu.memory_space<vmem>>) semaphore(%arg11 : memref<!tpu.dma_semaphore, #tpu.memory_space<semaphore_mem>>)
      } else {
      }
      %dma_wait3A_125 = arith.constant 3 : i32
      %dma_wait3A_126 = arith.constant 0 : i32
      %dma_wait3A_127 = tpu.memref_slice %arg6[%scan3A_46, %dma_wait3A_125, %dma_wait3A_126] : memref<10x8x125xi32, #tpu.memory_space<vmem>> -> memref<1x1x125xi32, #tpu.memory_space<vmem>>
      %dma_wait3A_128 = tpu.memref_squeeze %dma_wait3A_127 : memref<1x1x125xi32, #tpu.memory_space<vmem>> -> memref<125xi32, #tpu.memory_space<vmem>>
      %dma_wait3A_129 = arith.constant 0 : i32
      %dma_wait3A_130 = arith.constant 0 : i32
      %dma_wait3A_131 = tpu.memref_slice %arg3[%dma_wait3A_129, %dma_wait3A_130] : memref<10000x128xf32, #tpu.memory_space<hbm>> -> memref<10000x128xf32, #tpu.memory_space<hbm>>
      tpu.wait_indirect_dma semaphore(%arg12 : memref<!tpu.dma_semaphore, #tpu.memory_space<semaphore_mem>>) src(%dma_wait3A_131 : memref<10000x128xf32, #tpu.memory_space<hbm>>) dst(%arg9 : memref<125x128xf32, #tpu.memory_space<vmem>>)
      %run_scoped3A_132 = arith.constant 3 : i32
      "tpu.region"() ({
        %run_scoped3A_220 = tpu.sem_alloc : memref<!tpu.dma_semaphore, #tpu.memory_space<semaphore_mem>>
        %dma_start3A_221 = arith.constant 0 : i32
        %dma_start3A_222 = tpu.memref_slice %arg7[%rem3A_47, %run_scoped3A_132, %dma_start3A_221] : memref<2x8x125xi32, #tpu.memory_space<vmem>> -> memref<1x1x125xi32, #tpu.memory_space<vmem>>
        %dma_start3A_223 = tpu.memref_squeeze %dma_start3A_222 : memref<1x1x125xi32, #tpu.memory_space<vmem>> -> memref<125xi32, #tpu.memory_space<vmem>>
        %dma_start3A_224 = arith.constant 0 : i32
        %dma_start3A_225 = arith.constant 0 : i32
        %dma_start3A_226 = tpu.memref_slice %arg13[%dma_start3A_224, %dma_start3A_225] : memref<10112x128xf32, #tpu.memory_space<vmem_shared>> -> memref<10112x128xf32, #tpu.memory_space<vmem_shared>>
        tpu.enqueue_indirect_dma source(%arg9 : memref<125x128xf32, #tpu.memory_space<vmem>>) target(%dma_start3A_226 : memref<10112x128xf32, #tpu.memory_space<vmem_shared>>) offsets(%dma_start3A_223 : memref<125xi32, #tpu.memory_space<vmem>>) semaphore(%run_scoped3A_220 : memref<!tpu.dma_semaphore, #tpu.memory_space<semaphore_mem>>) {add = true}
        %dma_wait3A_227 = arith.constant 0 : i32
        %dma_wait3A_228 = tpu.memref_slice %arg7[%rem3A_47, %run_scoped3A_132, %dma_wait3A_227] : memref<2x8x125xi32, #tpu.memory_space<vmem>> -> memref<1x1x125xi32, #tpu.memory_space<vmem>>
        %dma_wait3A_229 = tpu.memref_squeeze %dma_wait3A_228 : memref<1x1x125xi32, #tpu.memory_space<vmem>> -> memref<125xi32, #tpu.memory_space<vmem>>
        %dma_wait3A_230 = arith.constant 0 : i32
        %dma_wait3A_231 = arith.constant 0 : i32
        %dma_wait3A_232 = tpu.memref_slice %arg13[%dma_wait3A_230, %dma_wait3A_231] : memref<10112x128xf32, #tpu.memory_space<vmem_shared>> -> memref<10112x128xf32, #tpu.memory_space<vmem_shared>>
        tpu.wait_indirect_dma semaphore(%run_scoped3A_220 : memref<!tpu.dma_semaphore, #tpu.memory_space<semaphore_mem>>) src(%arg9 : memref<125x128xf32, #tpu.memory_space<vmem>>) dst(%dma_wait3A_232 : memref<10112x128xf32, #tpu.memory_space<vmem_shared>>)
        tpu.yield
      }) : () -> ()
      %mul3A_133 = arith.constant 8 : i32
      %mul3A_134 = arith.muli %scan3A_46, %mul3A_133 : i32
      %add3A_135 = arith.constant 3 : i32
      %add3A_136 = arith.addi %mul3A_134, %add3A_135 : i32
      %add3A_137 = arith.constant 2 : i32
      %add3A_138 = arith.addi %add3A_136, %add3A_137 : i32
      %lt3A_139 = arith.constant 80 : i32
      %lt3A_140 = arith.cmpi slt, %add3A_138, %lt3A_139 : i32
      %convert_element_type3A_141 = arith.extui %lt3A_140 : i1 to i32
      %cond3A_142 = arith.constant 0 : i32
      %cond3A_143 = arith.cmpi ne, %convert_element_type3A_141, %cond3A_142 : i32
      scf.if %cond3A_143 {
        %mul3A_220 = arith.constant 8 : i32
        %mul3A_221 = arith.muli %scan3A_46, %mul3A_220 : i32
        %add3A_222 = arith.constant 3 : i32
        %add3A_223 = arith.addi %mul3A_221, %add3A_222 : i32
        %add3A_224 = arith.constant 2 : i32
        %add3A_225 = arith.addi %add3A_223, %add3A_224 : i32
        %jit3A = arith.constant 8 : i32
        %div3A = arith.divsi %add3A_225, %jit3A : i32
        %sign3A = arith.constant 0 : i32
        %sign3A_226 = arith.cmpi sgt, %add3A_225, %sign3A : i32
        %sign3A_227 = arith.extui %sign3A_226 : i1 to i32
        %sign3A_228 = arith.constant 0 : i32
        %sign3A_229 = arith.cmpi slt, %add3A_225, %sign3A_228 : i32
        %sign3A_230 = arith.extui %sign3A_229 : i1 to i32
        %sign3A_231 = arith.subi %sign3A_227, %sign3A_230 : i32
        %sign3A_232 = arith.constant 0 : i32
        %sign3A_233 = arith.cmpi sgt, %jit3A, %sign3A_232 : i32
        %sign3A_234 = arith.extui %sign3A_233 : i1 to i32
        %sign3A_235 = arith.constant 0 : i32
        %sign3A_236 = arith.cmpi slt, %jit3A, %sign3A_235 : i32
        %sign3A_237 = arith.extui %sign3A_236 : i1 to i32
        %sign3A_238 = arith.subi %sign3A_234, %sign3A_237 : i32
        %ne3A = arith.cmpi ne, %sign3A_231, %sign3A_238 : i32
        %rem3A_239 = arith.remsi %add3A_225, %jit3A : i32
        %ne3A_240 = arith.constant 0 : i32
        %ne3A_241 = arith.cmpi ne, %rem3A_239, %ne3A_240 : i32
        %and3A = arith.andi %ne3A, %ne3A_241 : i1
        %sub3A = arith.constant 1 : i32
        %sub3A_242 = arith.subi %div3A, %sub3A : i32
        %select_n3A = arith.select %and3A, %sub3A_242, %div3A : i32
        %dma_start3A_243 = arith.constant 5 : i32
        %dma_start3A_244 = arith.constant 0 : i32
        %dma_start3A_245 = tpu.memref_slice %arg6[%select_n3A, %dma_start3A_243, %dma_start3A_244] : memref<10x8x125xi32, #tpu.memory_space<vmem>> -> memref<1x1x125xi32, #tpu.memory_space<vmem>>
        %dma_start3A_246 = tpu.memref_squeeze %dma_start3A_245 : memref<1x1x125xi32, #tpu.memory_space<vmem>> -> memref<125xi32, #tpu.memory_space<vmem>>
        %dma_start3A_247 = arith.constant 0 : i32
        %dma_start3A_248 = arith.constant 0 : i32
        %dma_start3A_249 = tpu.memref_slice %arg3[%dma_start3A_247, %dma_start3A_248] : memref<10000x128xf32, #tpu.memory_space<hbm>> -> memref<10000x128xf32, #tpu.memory_space<hbm>>
        tpu.enqueue_indirect_dma source(%dma_start3A_249 : memref<10000x128xf32, #tpu.memory_space<hbm>>) target(%arg9 : memref<125x128xf32, #tpu.memory_space<vmem>>) offsets(%dma_start3A_246 : memref<125xi32, #tpu.memory_space<vmem>>) semaphore(%arg12 : memref<!tpu.dma_semaphore, #tpu.memory_space<semaphore_mem>>)
      } else {
      }
      %dma_wait3A_144 = arith.constant 4 : i32
      %dma_wait3A_145 = arith.constant 0 : i32
      %dma_wait3A_146 = tpu.memref_slice %arg6[%scan3A_46, %dma_wait3A_144, %dma_wait3A_145] : memref<10x8x125xi32, #tpu.memory_space<vmem>> -> memref<1x1x125xi32, #tpu.memory_space<vmem>>
      %dma_wait3A_147 = tpu.memref_squeeze %dma_wait3A_146 : memref<1x1x125xi32, #tpu.memory_space<vmem>> -> memref<125xi32, #tpu.memory_space<vmem>>
      %dma_wait3A_148 = arith.constant 0 : i32
      %dma_wait3A_149 = arith.constant 0 : i32
      %dma_wait3A_150 = tpu.memref_slice %arg3[%dma_wait3A_148, %dma_wait3A_149] : memref<10000x128xf32, #tpu.memory_space<hbm>> -> memref<10000x128xf32, #tpu.memory_space<hbm>>
      tpu.wait_indirect_dma semaphore(%arg11 : memref<!tpu.dma_semaphore, #tpu.memory_space<semaphore_mem>>) src(%dma_wait3A_150 : memref<10000x128xf32, #tpu.memory_space<hbm>>) dst(%arg8 : memref<125x128xf32, #tpu.memory_space<vmem>>)
      %run_scoped3A_151 = arith.constant 4 : i32
      "tpu.region"() ({
        %run_scoped3A_220 = tpu.sem_alloc : memref<!tpu.dma_semaphore, #tpu.memory_space<semaphore_mem>>
        %dma_start3A_221 = arith.constant 0 : i32
        %dma_start3A_222 = tpu.memref_slice %arg7[%rem3A_47, %run_scoped3A_151, %dma_start3A_221] : memref<2x8x125xi32, #tpu.memory_space<vmem>> -> memref<1x1x125xi32, #tpu.memory_space<vmem>>
        %dma_start3A_223 = tpu.memref_squeeze %dma_start3A_222 : memref<1x1x125xi32, #tpu.memory_space<vmem>> -> memref<125xi32, #tpu.memory_space<vmem>>
        %dma_start3A_224 = arith.constant 0 : i32
        %dma_start3A_225 = arith.constant 0 : i32
        %dma_start3A_226 = tpu.memref_slice %arg13[%dma_start3A_224, %dma_start3A_225] : memref<10112x128xf32, #tpu.memory_space<vmem_shared>> -> memref<10112x128xf32, #tpu.memory_space<vmem_shared>>
        tpu.enqueue_indirect_dma source(%arg8 : memref<125x128xf32, #tpu.memory_space<vmem>>) target(%dma_start3A_226 : memref<10112x128xf32, #tpu.memory_space<vmem_shared>>) offsets(%dma_start3A_223 : memref<125xi32, #tpu.memory_space<vmem>>) semaphore(%run_scoped3A_220 : memref<!tpu.dma_semaphore, #tpu.memory_space<semaphore_mem>>) {add = true}
        %dma_wait3A_227 = arith.constant 0 : i32
        %dma_wait3A_228 = tpu.memref_slice %arg7[%rem3A_47, %run_scoped3A_151, %dma_wait3A_227] : memref<2x8x125xi32, #tpu.memory_space<vmem>> -> memref<1x1x125xi32, #tpu.memory_space<vmem>>
        %dma_wait3A_229 = tpu.memref_squeeze %dma_wait3A_228 : memref<1x1x125xi32, #tpu.memory_space<vmem>> -> memref<125xi32, #tpu.memory_space<vmem>>
        %dma_wait3A_230 = arith.constant 0 : i32
        %dma_wait3A_231 = arith.constant 0 : i32
        %dma_wait3A_232 = tpu.memref_slice %arg13[%dma_wait3A_230, %dma_wait3A_231] : memref<10112x128xf32, #tpu.memory_space<vmem_shared>> -> memref<10112x128xf32, #tpu.memory_space<vmem_shared>>
        tpu.wait_indirect_dma semaphore(%run_scoped3A_220 : memref<!tpu.dma_semaphore, #tpu.memory_space<semaphore_mem>>) src(%arg8 : memref<125x128xf32, #tpu.memory_space<vmem>>) dst(%dma_wait3A_232 : memref<10112x128xf32, #tpu.memory_space<vmem_shared>>)
        tpu.yield
      }) : () -> ()
      %mul3A_152 = arith.constant 8 : i32
      %mul3A_153 = arith.muli %scan3A_46, %mul3A_152 : i32
      %add3A_154 = arith.constant 4 : i32
      %add3A_155 = arith.addi %mul3A_153, %add3A_154 : i32
      %add3A_156 = arith.constant 2 : i32
      %add3A_157 = arith.addi %add3A_155, %add3A_156 : i32
      %lt3A_158 = arith.constant 80 : i32
      %lt3A_159 = arith.cmpi slt, %add3A_157, %lt3A_158 : i32
      %convert_element_type3A_160 = arith.extui %lt3A_159 : i1 to i32
      %cond3A_161 = arith.constant 0 : i32
      %cond3A_162 = arith.cmpi ne, %convert_element_type3A_160, %cond3A_161 : i32
      scf.if %cond3A_162 {
        %mul3A_220 = arith.constant 8 : i32
        %mul3A_221 = arith.muli %scan3A_46, %mul3A_220 : i32
        %add3A_222 = arith.constant 4 : i32
        %add3A_223 = arith.addi %mul3A_221, %add3A_222 : i32
        %add3A_224 = arith.constant 2 : i32
        %add3A_225 = arith.addi %add3A_223, %add3A_224 : i32
        %jit3A = arith.constant 8 : i32
        %div3A = arith.divsi %add3A_225, %jit3A : i32
        %sign3A = arith.constant 0 : i32
        %sign3A_226 = arith.cmpi sgt, %add3A_225, %sign3A : i32
        %sign3A_227 = arith.extui %sign3A_226 : i1 to i32
        %sign3A_228 = arith.constant 0 : i32
        %sign3A_229 = arith.cmpi slt, %add3A_225, %sign3A_228 : i32
        %sign3A_230 = arith.extui %sign3A_229 : i1 to i32
        %sign3A_231 = arith.subi %sign3A_227, %sign3A_230 : i32
        %sign3A_232 = arith.constant 0 : i32
        %sign3A_233 = arith.cmpi sgt, %jit3A, %sign3A_232 : i32
        %sign3A_234 = arith.extui %sign3A_233 : i1 to i32
        %sign3A_235 = arith.constant 0 : i32
        %sign3A_236 = arith.cmpi slt, %jit3A, %sign3A_235 : i32
        %sign3A_237 = arith.extui %sign3A_236 : i1 to i32
        %sign3A_238 = arith.subi %sign3A_234, %sign3A_237 : i32
        %ne3A = arith.cmpi ne, %sign3A_231, %sign3A_238 : i32
        %rem3A_239 = arith.remsi %add3A_225, %jit3A : i32
        %ne3A_240 = arith.constant 0 : i32
        %ne3A_241 = arith.cmpi ne, %rem3A_239, %ne3A_240 : i32
        %and3A = arith.andi %ne3A, %ne3A_241 : i1
        %sub3A = arith.constant 1 : i32
        %sub3A_242 = arith.subi %div3A, %sub3A : i32
        %select_n3A = arith.select %and3A, %sub3A_242, %div3A : i32
        %dma_start3A_243 = arith.constant 6 : i32
        %dma_start3A_244 = arith.constant 0 : i32
        %dma_start3A_245 = tpu.memref_slice %arg6[%select_n3A, %dma_start3A_243, %dma_start3A_244] : memref<10x8x125xi32, #tpu.memory_space<vmem>> -> memref<1x1x125xi32, #tpu.memory_space<vmem>>
        %dma_start3A_246 = tpu.memref_squeeze %dma_start3A_245 : memref<1x1x125xi32, #tpu.memory_space<vmem>> -> memref<125xi32, #tpu.memory_space<vmem>>
        %dma_start3A_247 = arith.constant 0 : i32
        %dma_start3A_248 = arith.constant 0 : i32
        %dma_start3A_249 = tpu.memref_slice %arg3[%dma_start3A_247, %dma_start3A_248] : memref<10000x128xf32, #tpu.memory_space<hbm>> -> memref<10000x128xf32, #tpu.memory_space<hbm>>
        tpu.enqueue_indirect_dma source(%dma_start3A_249 : memref<10000x128xf32, #tpu.memory_space<hbm>>) target(%arg8 : memref<125x128xf32, #tpu.memory_space<vmem>>) offsets(%dma_start3A_246 : memref<125xi32, #tpu.memory_space<vmem>>) semaphore(%arg11 : memref<!tpu.dma_semaphore, #tpu.memory_space<semaphore_mem>>)
      } else {
      }
      %dma_wait3A_163 = arith.constant 5 : i32
      %dma_wait3A_164 = arith.constant 0 : i32
      %dma_wait3A_165 = tpu.memref_slice %arg6[%scan3A_46, %dma_wait3A_163, %dma_wait3A_164] : memref<10x8x125xi32, #tpu.memory_space<vmem>> -> memref<1x1x125xi32, #tpu.memory_space<vmem>>
      %dma_wait3A_166 = tpu.memref_squeeze %dma_wait3A_165 : memref<1x1x125xi32, #tpu.memory_space<vmem>> -> memref<125xi32, #tpu.memory_space<vmem>>
      %dma_wait3A_167 = arith.constant 0 : i32
      %dma_wait3A_168 = arith.constant 0 : i32
      %dma_wait3A_169 = tpu.memref_slice %arg3[%dma_wait3A_167, %dma_wait3A_168] : memref<10000x128xf32, #tpu.memory_space<hbm>> -> memref<10000x128xf32, #tpu.memory_space<hbm>>
      tpu.wait_indirect_dma semaphore(%arg12 : memref<!tpu.dma_semaphore, #tpu.memory_space<semaphore_mem>>) src(%dma_wait3A_169 : memref<10000x128xf32, #tpu.memory_space<hbm>>) dst(%arg9 : memref<125x128xf32, #tpu.memory_space<vmem>>)
      %run_scoped3A_170 = arith.constant 5 : i32
      "tpu.region"() ({
        %run_scoped3A_220 = tpu.sem_alloc : memref<!tpu.dma_semaphore, #tpu.memory_space<semaphore_mem>>
        %dma_start3A_221 = arith.constant 0 : i32
        %dma_start3A_222 = tpu.memref_slice %arg7[%rem3A_47, %run_scoped3A_170, %dma_start3A_221] : memref<2x8x125xi32, #tpu.memory_space<vmem>> -> memref<1x1x125xi32, #tpu.memory_space<vmem>>
        %dma_start3A_223 = tpu.memref_squeeze %dma_start3A_222 : memref<1x1x125xi32, #tpu.memory_space<vmem>> -> memref<125xi32, #tpu.memory_space<vmem>>
        %dma_start3A_224 = arith.constant 0 : i32
        %dma_start3A_225 = arith.constant 0 : i32
        %dma_start3A_226 = tpu.memref_slice %arg13[%dma_start3A_224, %dma_start3A_225] : memref<10112x128xf32, #tpu.memory_space<vmem_shared>> -> memref<10112x128xf32, #tpu.memory_space<vmem_shared>>
        tpu.enqueue_indirect_dma source(%arg9 : memref<125x128xf32, #tpu.memory_space<vmem>>) target(%dma_start3A_226 : memref<10112x128xf32, #tpu.memory_space<vmem_shared>>) offsets(%dma_start3A_223 : memref<125xi32, #tpu.memory_space<vmem>>) semaphore(%run_scoped3A_220 : memref<!tpu.dma_semaphore, #tpu.memory_space<semaphore_mem>>) {add = true}
        %dma_wait3A_227 = arith.constant 0 : i32
        %dma_wait3A_228 = tpu.memref_slice %arg7[%rem3A_47, %run_scoped3A_170, %dma_wait3A_227] : memref<2x8x125xi32, #tpu.memory_space<vmem>> -> memref<1x1x125xi32, #tpu.memory_space<vmem>>
        %dma_wait3A_229 = tpu.memref_squeeze %dma_wait3A_228 : memref<1x1x125xi32, #tpu.memory_space<vmem>> -> memref<125xi32, #tpu.memory_space<vmem>>
        %dma_wait3A_230 = arith.constant 0 : i32
        %dma_wait3A_231 = arith.constant 0 : i32
        %dma_wait3A_232 = tpu.memref_slice %arg13[%dma_wait3A_230, %dma_wait3A_231] : memref<10112x128xf32, #tpu.memory_space<vmem_shared>> -> memref<10112x128xf32, #tpu.memory_space<vmem_shared>>
        tpu.wait_indirect_dma semaphore(%run_scoped3A_220 : memref<!tpu.dma_semaphore, #tpu.memory_space<semaphore_mem>>) src(%arg9 : memref<125x128xf32, #tpu.memory_space<vmem>>) dst(%dma_wait3A_232 : memref<10112x128xf32, #tpu.memory_space<vmem_shared>>)
        tpu.yield
      }) : () -> ()
      %mul3A_171 = arith.constant 8 : i32
      %mul3A_172 = arith.muli %scan3A_46, %mul3A_171 : i32
      %add3A_173 = arith.constant 5 : i32
      %add3A_174 = arith.addi %mul3A_172, %add3A_173 : i32
      %add3A_175 = arith.constant 2 : i32
      %add3A_176 = arith.addi %add3A_174, %add3A_175 : i32
      %lt3A_177 = arith.constant 80 : i32
      %lt3A_178 = arith.cmpi slt, %add3A_176, %lt3A_177 : i32
      %convert_element_type3A_179 = arith.extui %lt3A_178 : i1 to i32
      %cond3A_180 = arith.constant 0 : i32
      %cond3A_181 = arith.cmpi ne, %convert_element_type3A_179, %cond3A_180 : i32
      scf.if %cond3A_181 {
        %mul3A_220 = arith.constant 8 : i32
        %mul3A_221 = arith.muli %scan3A_46, %mul3A_220 : i32
        %add3A_222 = arith.constant 5 : i32
        %add3A_223 = arith.addi %mul3A_221, %add3A_222 : i32
        %add3A_224 = arith.constant 2 : i32
        %add3A_225 = arith.addi %add3A_223, %add3A_224 : i32
        %jit3A = arith.constant 8 : i32
        %div3A = arith.divsi %add3A_225, %jit3A : i32
        %sign3A = arith.constant 0 : i32
        %sign3A_226 = arith.cmpi sgt, %add3A_225, %sign3A : i32
        %sign3A_227 = arith.extui %sign3A_226 : i1 to i32
        %sign3A_228 = arith.constant 0 : i32
        %sign3A_229 = arith.cmpi slt, %add3A_225, %sign3A_228 : i32
        %sign3A_230 = arith.extui %sign3A_229 : i1 to i32
        %sign3A_231 = arith.subi %sign3A_227, %sign3A_230 : i32
        %sign3A_232 = arith.constant 0 : i32
        %sign3A_233 = arith.cmpi sgt, %jit3A, %sign3A_232 : i32
        %sign3A_234 = arith.extui %sign3A_233 : i1 to i32
        %sign3A_235 = arith.constant 0 : i32
        %sign3A_236 = arith.cmpi slt, %jit3A, %sign3A_235 : i32
        %sign3A_237 = arith.extui %sign3A_236 : i1 to i32
        %sign3A_238 = arith.subi %sign3A_234, %sign3A_237 : i32
        %ne3A = arith.cmpi ne, %sign3A_231, %sign3A_238 : i32
        %rem3A_239 = arith.remsi %add3A_225, %jit3A : i32
        %ne3A_240 = arith.constant 0 : i32
        %ne3A_241 = arith.cmpi ne, %rem3A_239, %ne3A_240 : i32
        %and3A = arith.andi %ne3A, %ne3A_241 : i1
        %sub3A = arith.constant 1 : i32
        %sub3A_242 = arith.subi %div3A, %sub3A : i32
        %select_n3A = arith.select %and3A, %sub3A_242, %div3A : i32
        %dma_start3A_243 = arith.constant 7 : i32
        %dma_start3A_244 = arith.constant 0 : i32
        %dma_start3A_245 = tpu.memref_slice %arg6[%select_n3A, %dma_start3A_243, %dma_start3A_244] : memref<10x8x125xi32, #tpu.memory_space<vmem>> -> memref<1x1x125xi32, #tpu.memory_space<vmem>>
        %dma_start3A_246 = tpu.memref_squeeze %dma_start3A_245 : memref<1x1x125xi32, #tpu.memory_space<vmem>> -> memref<125xi32, #tpu.memory_space<vmem>>
        %dma_start3A_247 = arith.constant 0 : i32
        %dma_start3A_248 = arith.constant 0 : i32
        %dma_start3A_249 = tpu.memref_slice %arg3[%dma_start3A_247, %dma_start3A_248] : memref<10000x128xf32, #tpu.memory_space<hbm>> -> memref<10000x128xf32, #tpu.memory_space<hbm>>
        tpu.enqueue_indirect_dma source(%dma_start3A_249 : memref<10000x128xf32, #tpu.memory_space<hbm>>) target(%arg9 : memref<125x128xf32, #tpu.memory_space<vmem>>) offsets(%dma_start3A_246 : memref<125xi32, #tpu.memory_space<vmem>>) semaphore(%arg12 : memref<!tpu.dma_semaphore, #tpu.memory_space<semaphore_mem>>)
      } else {
      }
      %dma_wait3A_182 = arith.constant 6 : i32
      %dma_wait3A_183 = arith.constant 0 : i32
      %dma_wait3A_184 = tpu.memref_slice %arg6[%scan3A_46, %dma_wait3A_182, %dma_wait3A_183] : memref<10x8x125xi32, #tpu.memory_space<vmem>> -> memref<1x1x125xi32, #tpu.memory_space<vmem>>
      %dma_wait3A_185 = tpu.memref_squeeze %dma_wait3A_184 : memref<1x1x125xi32, #tpu.memory_space<vmem>> -> memref<125xi32, #tpu.memory_space<vmem>>
      %dma_wait3A_186 = arith.constant 0 : i32
      %dma_wait3A_187 = arith.constant 0 : i32
      %dma_wait3A_188 = tpu.memref_slice %arg3[%dma_wait3A_186, %dma_wait3A_187] : memref<10000x128xf32, #tpu.memory_space<hbm>> -> memref<10000x128xf32, #tpu.memory_space<hbm>>
      tpu.wait_indirect_dma semaphore(%arg11 : memref<!tpu.dma_semaphore, #tpu.memory_space<semaphore_mem>>) src(%dma_wait3A_188 : memref<10000x128xf32, #tpu.memory_space<hbm>>) dst(%arg8 : memref<125x128xf32, #tpu.memory_space<vmem>>)
      %run_scoped3A_189 = arith.constant 6 : i32
      "tpu.region"() ({
        %run_scoped3A_220 = tpu.sem_alloc : memref<!tpu.dma_semaphore, #tpu.memory_space<semaphore_mem>>
        %dma_start3A_221 = arith.constant 0 : i32
        %dma_start3A_222 = tpu.memref_slice %arg7[%rem3A_47, %run_scoped3A_189, %dma_start3A_221] : memref<2x8x125xi32, #tpu.memory_space<vmem>> -> memref<1x1x125xi32, #tpu.memory_space<vmem>>
        %dma_start3A_223 = tpu.memref_squeeze %dma_start3A_222 : memref<1x1x125xi32, #tpu.memory_space<vmem>> -> memref<125xi32, #tpu.memory_space<vmem>>
        %dma_start3A_224 = arith.constant 0 : i32
        %dma_start3A_225 = arith.constant 0 : i32
        %dma_start3A_226 = tpu.memref_slice %arg13[%dma_start3A_224, %dma_start3A_225] : memref<10112x128xf32, #tpu.memory_space<vmem_shared>> -> memref<10112x128xf32, #tpu.memory_space<vmem_shared>>
        tpu.enqueue_indirect_dma source(%arg8 : memref<125x128xf32, #tpu.memory_space<vmem>>) target(%dma_start3A_226 : memref<10112x128xf32, #tpu.memory_space<vmem_shared>>) offsets(%dma_start3A_223 : memref<125xi32, #tpu.memory_space<vmem>>) semaphore(%run_scoped3A_220 : memref<!tpu.dma_semaphore, #tpu.memory_space<semaphore_mem>>) {add = true}
        %dma_wait3A_227 = arith.constant 0 : i32
        %dma_wait3A_228 = tpu.memref_slice %arg7[%rem3A_47, %run_scoped3A_189, %dma_wait3A_227] : memref<2x8x125xi32, #tpu.memory_space<vmem>> -> memref<1x1x125xi32, #tpu.memory_space<vmem>>
        %dma_wait3A_229 = tpu.memref_squeeze %dma_wait3A_228 : memref<1x1x125xi32, #tpu.memory_space<vmem>> -> memref<125xi32, #tpu.memory_space<vmem>>
        %dma_wait3A_230 = arith.constant 0 : i32
        %dma_wait3A_231 = arith.constant 0 : i32
        %dma_wait3A_232 = tpu.memref_slice %arg13[%dma_wait3A_230, %dma_wait3A_231] : memref<10112x128xf32, #tpu.memory_space<vmem_shared>> -> memref<10112x128xf32, #tpu.memory_space<vmem_shared>>
        tpu.wait_indirect_dma semaphore(%run_scoped3A_220 : memref<!tpu.dma_semaphore, #tpu.memory_space<semaphore_mem>>) src(%arg8 : memref<125x128xf32, #tpu.memory_space<vmem>>) dst(%dma_wait3A_232 : memref<10112x128xf32, #tpu.memory_space<vmem_shared>>)
        tpu.yield
      }) : () -> ()
      %mul3A_190 = arith.constant 8 : i32
      %mul3A_191 = arith.muli %scan3A_46, %mul3A_190 : i32
      %add3A_192 = arith.constant 6 : i32
      %add3A_193 = arith.addi %mul3A_191, %add3A_192 : i32
      %add3A_194 = arith.constant 2 : i32
      %add3A_195 = arith.addi %add3A_193, %add3A_194 : i32
      %lt3A_196 = arith.constant 80 : i32
      %lt3A_197 = arith.cmpi slt, %add3A_195, %lt3A_196 : i32
      %convert_element_type3A_198 = arith.extui %lt3A_197 : i1 to i32
      %cond3A_199 = arith.constant 0 : i32
      %cond3A_200 = arith.cmpi ne, %convert_element_type3A_198, %cond3A_199 : i32
      scf.if %cond3A_200 {
        %mul3A_220 = arith.constant 8 : i32
        %mul3A_221 = arith.muli %scan3A_46, %mul3A_220 : i32
        %add3A_222 = arith.constant 6 : i32
        %add3A_223 = arith.addi %mul3A_221, %add3A_222 : i32
        %add3A_224 = arith.constant 2 : i32
        %add3A_225 = arith.addi %add3A_223, %add3A_224 : i32
        %jit3A = arith.constant 8 : i32
        %div3A = arith.divsi %add3A_225, %jit3A : i32
        %sign3A = arith.constant 0 : i32
        %sign3A_226 = arith.cmpi sgt, %add3A_225, %sign3A : i32
        %sign3A_227 = arith.extui %sign3A_226 : i1 to i32
        %sign3A_228 = arith.constant 0 : i32
        %sign3A_229 = arith.cmpi slt, %add3A_225, %sign3A_228 : i32
        %sign3A_230 = arith.extui %sign3A_229 : i1 to i32
        %sign3A_231 = arith.subi %sign3A_227, %sign3A_230 : i32
        %sign3A_232 = arith.constant 0 : i32
        %sign3A_233 = arith.cmpi sgt, %jit3A, %sign3A_232 : i32
        %sign3A_234 = arith.extui %sign3A_233 : i1 to i32
        %sign3A_235 = arith.constant 0 : i32
        %sign3A_236 = arith.cmpi slt, %jit3A, %sign3A_235 : i32
        %sign3A_237 = arith.extui %sign3A_236 : i1 to i32
        %sign3A_238 = arith.subi %sign3A_234, %sign3A_237 : i32
        %ne3A = arith.cmpi ne, %sign3A_231, %sign3A_238 : i32
        %rem3A_239 = arith.remsi %add3A_225, %jit3A : i32
        %ne3A_240 = arith.constant 0 : i32
        %ne3A_241 = arith.cmpi ne, %rem3A_239, %ne3A_240 : i32
        %and3A = arith.andi %ne3A, %ne3A_241 : i1
        %sub3A = arith.constant 1 : i32
        %sub3A_242 = arith.subi %div3A, %sub3A : i32
        %select_n3A = arith.select %and3A, %sub3A_242, %div3A : i32
        %dma_start3A_243 = arith.constant 0 : i32
        %dma_start3A_244 = arith.constant 0 : i32
        %dma_start3A_245 = tpu.memref_slice %arg6[%select_n3A, %dma_start3A_243, %dma_start3A_244] : memref<10x8x125xi32, #tpu.memory_space<vmem>> -> memref<1x1x125xi32, #tpu.memory_space<vmem>>
        %dma_start3A_246 = tpu.memref_squeeze %dma_start3A_245 : memref<1x1x125xi32, #tpu.memory_space<vmem>> -> memref<125xi32, #tpu.memory_space<vmem>>
        %dma_start3A_247 = arith.constant 0 : i32
        %dma_start3A_248 = arith.constant 0 : i32
        %dma_start3A_249 = tpu.memref_slice %arg3[%dma_start3A_247, %dma_start3A_248] : memref<10000x128xf32, #tpu.memory_space<hbm>> -> memref<10000x128xf32, #tpu.memory_space<hbm>>
        tpu.enqueue_indirect_dma source(%dma_start3A_249 : memref<10000x128xf32, #tpu.memory_space<hbm>>) target(%arg8 : memref<125x128xf32, #tpu.memory_space<vmem>>) offsets(%dma_start3A_246 : memref<125xi32, #tpu.memory_space<vmem>>) semaphore(%arg11 : memref<!tpu.dma_semaphore, #tpu.memory_space<semaphore_mem>>)
      } else {
      }
      %dma_wait3A_201 = arith.constant 7 : i32
      %dma_wait3A_202 = arith.constant 0 : i32
      %dma_wait3A_203 = tpu.memref_slice %arg6[%scan3A_46, %dma_wait3A_201, %dma_wait3A_202] : memref<10x8x125xi32, #tpu.memory_space<vmem>> -> memref<1x1x125xi32, #tpu.memory_space<vmem>>
      %dma_wait3A_204 = tpu.memref_squeeze %dma_wait3A_203 : memref<1x1x125xi32, #tpu.memory_space<vmem>> -> memref<125xi32, #tpu.memory_space<vmem>>
      %dma_wait3A_205 = arith.constant 0 : i32
      %dma_wait3A_206 = arith.constant 0 : i32
      %dma_wait3A_207 = tpu.memref_slice %arg3[%dma_wait3A_205, %dma_wait3A_206] : memref<10000x128xf32, #tpu.memory_space<hbm>> -> memref<10000x128xf32, #tpu.memory_space<hbm>>
      tpu.wait_indirect_dma semaphore(%arg12 : memref<!tpu.dma_semaphore, #tpu.memory_space<semaphore_mem>>) src(%dma_wait3A_207 : memref<10000x128xf32, #tpu.memory_space<hbm>>) dst(%arg9 : memref<125x128xf32, #tpu.memory_space<vmem>>)
      %run_scoped3A_208 = arith.constant 7 : i32
      "tpu.region"() ({
        %run_scoped3A_220 = tpu.sem_alloc : memref<!tpu.dma_semaphore, #tpu.memory_space<semaphore_mem>>
        %dma_start3A_221 = arith.constant 0 : i32
        %dma_start3A_222 = tpu.memref_slice %arg7[%rem3A_47, %run_scoped3A_208, %dma_start3A_221] : memref<2x8x125xi32, #tpu.memory_space<vmem>> -> memref<1x1x125xi32, #tpu.memory_space<vmem>>
        %dma_start3A_223 = tpu.memref_squeeze %dma_start3A_222 : memref<1x1x125xi32, #tpu.memory_space<vmem>> -> memref<125xi32, #tpu.memory_space<vmem>>
        %dma_start3A_224 = arith.constant 0 : i32
        %dma_start3A_225 = arith.constant 0 : i32
        %dma_start3A_226 = tpu.memref_slice %arg13[%dma_start3A_224, %dma_start3A_225] : memref<10112x128xf32, #tpu.memory_space<vmem_shared>> -> memref<10112x128xf32, #tpu.memory_space<vmem_shared>>
        tpu.enqueue_indirect_dma source(%arg9 : memref<125x128xf32, #tpu.memory_space<vmem>>) target(%dma_start3A_226 : memref<10112x128xf32, #tpu.memory_space<vmem_shared>>) offsets(%dma_start3A_223 : memref<125xi32, #tpu.memory_space<vmem>>) semaphore(%run_scoped3A_220 : memref<!tpu.dma_semaphore, #tpu.memory_space<semaphore_mem>>) {add = true}
        %dma_wait3A_227 = arith.constant 0 : i32
        %dma_wait3A_228 = tpu.memref_slice %arg7[%rem3A_47, %run_scoped3A_208, %dma_wait3A_227] : memref<2x8x125xi32, #tpu.memory_space<vmem>> -> memref<1x1x125xi32, #tpu.memory_space<vmem>>
        %dma_wait3A_229 = tpu.memref_squeeze %dma_wait3A_228 : memref<1x1x125xi32, #tpu.memory_space<vmem>> -> memref<125xi32, #tpu.memory_space<vmem>>
        %dma_wait3A_230 = arith.constant 0 : i32
        %dma_wait3A_231 = arith.constant 0 : i32
        %dma_wait3A_232 = tpu.memref_slice %arg13[%dma_wait3A_230, %dma_wait3A_231] : memref<10112x128xf32, #tpu.memory_space<vmem_shared>> -> memref<10112x128xf32, #tpu.memory_space<vmem_shared>>
        tpu.wait_indirect_dma semaphore(%run_scoped3A_220 : memref<!tpu.dma_semaphore, #tpu.memory_space<semaphore_mem>>) src(%arg9 : memref<125x128xf32, #tpu.memory_space<vmem>>) dst(%dma_wait3A_232 : memref<10112x128xf32, #tpu.memory_space<vmem_shared>>)
        tpu.yield
      }) : () -> ()
      %mul3A_209 = arith.constant 8 : i32
      %mul3A_210 = arith.muli %scan3A_46, %mul3A_209 : i32
      %add3A_211 = arith.constant 7 : i32
      %add3A_212 = arith.addi %mul3A_210, %add3A_211 : i32
      %add3A_213 = arith.constant 2 : i32
      %add3A_214 = arith.addi %add3A_212, %add3A_213 : i32
      %lt3A_215 = arith.constant 80 : i32
      %lt3A_216 = arith.cmpi slt, %add3A_214, %lt3A_215 : i32
      %convert_element_type3A_217 = arith.extui %lt3A_216 : i1 to i32
      %cond3A_218 = arith.constant 0 : i32
      %cond3A_219 = arith.cmpi ne, %convert_element_type3A_217, %cond3A_218 : i32
      scf.if %cond3A_219 {
        %mul3A_220 = arith.constant 8 : i32
        %mul3A_221 = arith.muli %scan3A_46, %mul3A_220 : i32
        %add3A_222 = arith.constant 7 : i32
        %add3A_223 = arith.addi %mul3A_221, %add3A_222 : i32
        %add3A_224 = arith.constant 2 : i32
        %add3A_225 = arith.addi %add3A_223, %add3A_224 : i32
        %jit3A = arith.constant 8 : i32
        %div3A = arith.divsi %add3A_225, %jit3A : i32
        %sign3A = arith.constant 0 : i32
        %sign3A_226 = arith.cmpi sgt, %add3A_225, %sign3A : i32
        %sign3A_227 = arith.extui %sign3A_226 : i1 to i32
        %sign3A_228 = arith.constant 0 : i32
        %sign3A_229 = arith.cmpi slt, %add3A_225, %sign3A_228 : i32
        %sign3A_230 = arith.extui %sign3A_229 : i1 to i32
        %sign3A_231 = arith.subi %sign3A_227, %sign3A_230 : i32
        %sign3A_232 = arith.constant 0 : i32
        %sign3A_233 = arith.cmpi sgt, %jit3A, %sign3A_232 : i32
        %sign3A_234 = arith.extui %sign3A_233 : i1 to i32
        %sign3A_235 = arith.constant 0 : i32
        %sign3A_236 = arith.cmpi slt, %jit3A, %sign3A_235 : i32
        %sign3A_237 = arith.extui %sign3A_236 : i1 to i32
        %sign3A_238 = arith.subi %sign3A_234, %sign3A_237 : i32
        %ne3A = arith.cmpi ne, %sign3A_231, %sign3A_238 : i32
        %rem3A_239 = arith.remsi %add3A_225, %jit3A : i32
        %ne3A_240 = arith.constant 0 : i32
        %ne3A_241 = arith.cmpi ne, %rem3A_239, %ne3A_240 : i32
        %and3A = arith.andi %ne3A, %ne3A_241 : i1
        %sub3A = arith.constant 1 : i32
        %sub3A_242 = arith.subi %div3A, %sub3A : i32
        %select_n3A = arith.select %and3A, %sub3A_242, %div3A : i32
        %dma_start3A_243 = arith.constant 1 : i32
        %dma_start3A_244 = arith.constant 0 : i32
        %dma_start3A_245 = tpu.memref_slice %arg6[%select_n3A, %dma_start3A_243, %dma_start3A_244] : memref<10x8x125xi32, #tpu.memory_space<vmem>> -> memref<1x1x125xi32, #tpu.memory_space<vmem>>
        %dma_start3A_246 = tpu.memref_squeeze %dma_start3A_245 : memref<1x1x125xi32, #tpu.memory_space<vmem>> -> memref<125xi32, #tpu.memory_space<vmem>>
        %dma_start3A_247 = arith.constant 0 : i32
        %dma_start3A_248 = arith.constant 0 : i32
        %dma_start3A_249 = tpu.memref_slice %arg3[%dma_start3A_247, %dma_start3A_248] : memref<10000x128xf32, #tpu.memory_space<hbm>> -> memref<10000x128xf32, #tpu.memory_space<hbm>>
        tpu.enqueue_indirect_dma source(%dma_start3A_249 : memref<10000x128xf32, #tpu.memory_space<hbm>>) target(%arg9 : memref<125x128xf32, #tpu.memory_space<vmem>>) offsets(%dma_start3A_246 : memref<125xi32, #tpu.memory_space<vmem>>) semaphore(%arg12 : memref<!tpu.dma_semaphore, #tpu.memory_space<semaphore_mem>>)
      } else {
      }
    }
    %scan3A_40 = arith.constant 10 : i32
    %barrier3A_41 = arith.constant 0 : index
    tpu.barrier barrier_id(%barrier3A_41)
    %mul3A_42 = arith.constant 632 : i32
    %mul3A_43 = arith.muli %arg1, %mul3A_42 : i32
    %mul3A_44 = arith.constant 632 : i32
    %mul3A_45 = arith.muli %arg1, %mul3A_44 : i32
    "tpu.region"() ({
      %run_scoped3A_46 = tpu.sem_alloc : memref<!tpu.dma_semaphore, #tpu.memory_space<semaphore_mem>>
      %dma_start3A_47 = arith.constant 0 : i32
      %dma_start3A_48 = tpu.memref_slice %arg5[%arg0, %mul3A_45, %dma_start3A_47] : memref<2x10112x128xf32, #tpu.memory_space<hbm>> -> memref<1x632x128xf32, #tpu.memory_space<hbm>>
      %dma_start3A_49 = tpu.memref_squeeze %dma_start3A_48 : memref<1x632x128xf32, #tpu.memory_space<hbm>> -> memref<632x128xf32, #tpu.memory_space<hbm>>
      %dma_start3A_50 = arith.constant 0 : i32
      %dma_start3A_51 = tpu.memref_slice %arg13[%mul3A_43, %dma_start3A_50] : memref<10112x128xf32, #tpu.memory_space<vmem_shared>> -> memref<632x128xf32, #tpu.memory_space<vmem_shared>>
      tpu.enqueue_dma source(%dma_start3A_51 : memref<632x128xf32, #tpu.memory_space<vmem_shared>>) target(%dma_start3A_49 : memref<632x128xf32, #tpu.memory_space<hbm>>) target_semaphore(%run_scoped3A_46 : memref<!tpu.dma_semaphore, #tpu.memory_space<semaphore_mem>>)
      %dma_wait3A = arith.constant 0 : i32
      %dma_wait3A_52 = tpu.memref_slice %arg5[%arg0, %mul3A_45, %dma_wait3A] : memref<2x10112x128xf32, #tpu.memory_space<hbm>> -> memref<1x632x128xf32, #tpu.memory_space<hbm>>
      %dma_wait3A_53 = tpu.memref_squeeze %dma_wait3A_52 : memref<1x632x128xf32, #tpu.memory_space<hbm>> -> memref<632x128xf32, #tpu.memory_space<hbm>>
      %dma_wait3A_54 = arith.constant 0 : i32
      %dma_wait3A_55 = tpu.memref_slice %arg13[%mul3A_43, %dma_wait3A_54] : memref<10112x128xf32, #tpu.memory_space<vmem_shared>> -> memref<632x128xf32, #tpu.memory_space<vmem_shared>>
      tpu.wait_dma2 semaphore(%run_scoped3A_46 : memref<!tpu.dma_semaphore, #tpu.memory_space<semaphore_mem>>) src(%dma_wait3A_55 : memref<632x128xf32, #tpu.memory_space<vmem_shared>>) dst(%dma_wait3A_53 : memref<632x128xf32, #tpu.memory_space<hbm>>)
      tpu.yield
    }) : () -> ()
    return
  }
}

#map = affine_map<(d0, d1) -> (0, 0, 0, 0, 0)>
#map1 = affine_map<(d0, d1) -> (0, 0)>
#map2 = affine_map<(d0, d1) -> (0, 0, 0)>
module attributes {stable_mosaic.version = 14 : i64} {
  func.func @_sc_body(%arg0: i32, %arg1: i32, %arg2: memref<2x32x10x8x125xi32, #tpu.memory_space<hbm>>, %arg3: memref<10000x128xf32, #tpu.memory_space<hbm>>, %arg4: memref<632x128xf32, #tpu.memory_space<hbm>>, %arg5: memref<2x10112x128xf32, #tpu.memory_space<hbm>>, %arg6: memref<10x8x125xi32, #tpu.memory_space<vmem>>, %arg7: memref<2x8x125xi32, #tpu.memory_space<vmem>>, %arg8: memref<125x128xf32, #tpu.memory_space<vmem>>, %arg9: memref<125x128xf32, #tpu.memory_space<vmem>>, %arg10: memref<!tpu.dma_semaphore, #tpu.memory_space<semaphore_mem>>, %arg11: memref<!tpu.dma_semaphore, #tpu.memory_space<semaphore_mem>>, %arg12: memref<!tpu.dma_semaphore, #tpu.memory_space<semaphore_mem>>, %arg13: memref<10112x128xf32, #tpu.memory_space<vmem_shared>>) attributes {dimension_semantics = [#tpu.dimension_semantics<core_parallel>, #tpu.dimension_semantics<subcore_parallel>], iteration_bounds = array<i64: 2, 16>, scalar_prefetch = 0 : i64, scratch_operands = 8 : i64, tpu.core_type = #tpu.core_type<sc_vector_subcore>, window_params = [{transform_indices = #map}, {transform_indices = #map1}, {transform_indices = #map1}, {transform_indices = #map2}]} {
    %mul3A = arith.constant 16 : i32
    %mul3A_0 = arith.muli %arg0, %mul3A : i32
    %add3A = arith.addi %mul3A_0, %arg1 : i32
    %run_scoped3A = arith.constant 0 : i32
    "tpu.region"() ({
      %run_scoped3A_46 = tpu.sem_alloc : memref<!tpu.dma_semaphore, #tpu.memory_space<semaphore_mem>>
      %dma_start3A_47 = arith.constant 0 : i32
      %dma_start3A_48 = arith.constant 0 : i32
      %dma_start3A_49 = arith.constant 0 : i32
      %dma_start3A_50 = tpu.memref_slice %arg2[%run_scoped3A, %add3A, %dma_start3A_47, %dma_start3A_48, %dma_start3A_49] : memref<2x32x10x8x125xi32, #tpu.memory_space<hbm>> -> memref<1x1x10x8x125xi32, #tpu.memory_space<hbm>>
      %dma_start3A_51 = tpu.memref_squeeze %dma_start3A_50 : memref<1x1x10x8x125xi32, #tpu.memory_space<hbm>> -> memref<10x8x125xi32, #tpu.memory_space<hbm>>
      %dma_start3A_52 = arith.constant 0 : i32
      %dma_start3A_53 = arith.constant 0 : i32
      %dma_start3A_54 = arith.constant 0 : i32
      %dma_start3A_55 = tpu.memref_slice %arg2[%run_scoped3A, %add3A, %dma_start3A_52, %dma_start3A_53, %dma_start3A_54] : memref<2x32x10x8x125xi32, #tpu.memory_space<hbm>> -> memref<1x1x10x8x125xi32, #tpu.memory_space<hbm>>
      %dma_start3A_56 = tpu.memref_squeeze %dma_start3A_55 : memref<1x1x10x8x125xi32, #tpu.memory_space<hbm>> -> memref<10x8x125xi32, #tpu.memory_space<hbm>>
      tpu.enqueue_dma source(%dma_start3A_56 : memref<10x8x125xi32, #tpu.memory_space<hbm>>) target(%arg6 : memref<10x8x125xi32, #tpu.memory_space<vmem>>) target_semaphore(%run_scoped3A_46 : memref<!tpu.dma_semaphore, #tpu.memory_space<semaphore_mem>>)
      %dma_wait3A = arith.constant 0 : i32
      %dma_wait3A_57 = arith.constant 0 : i32
      %dma_wait3A_58 = arith.constant 0 : i32
      %dma_wait3A_59 = tpu.memref_slice %arg2[%run_scoped3A, %add3A, %dma_wait3A, %dma_wait3A_57, %dma_wait3A_58] : memref<2x32x10x8x125xi32, #tpu.memory_space<hbm>> -> memref<1x1x10x8x125xi32, #tpu.memory_space<hbm>>
      %dma_wait3A_60 = tpu.memref_squeeze %dma_wait3A_59 : memref<1x1x10x8x125xi32, #tpu.memory_space<hbm>> -> memref<10x8x125xi32, #tpu.memory_space<hbm>>
      %dma_wait3A_61 = arith.constant 0 : i32
      %dma_wait3A_62 = arith.constant 0 : i32
      %dma_wait3A_63 = arith.constant 0 : i32
      %dma_wait3A_64 = tpu.memref_slice %arg2[%run_scoped3A, %add3A, %dma_wait3A_61, %dma_wait3A_62, %dma_wait3A_63] : memref<2x32x10x8x125xi32, #tpu.memory_space<hbm>> -> memref<1x1x10x8x125xi32, #tpu.memory_space<hbm>>
      %dma_wait3A_65 = tpu.memref_squeeze %dma_wait3A_64 : memref<1x1x10x8x125xi32, #tpu.memory_space<hbm>> -> memref<10x8x125xi32, #tpu.memory_space<hbm>>
      tpu.wait_dma2 semaphore(%run_scoped3A_46 : memref<!tpu.dma_semaphore, #tpu.memory_space<semaphore_mem>>) src(%dma_wait3A_65 : memref<10x8x125xi32, #tpu.memory_space<hbm>>) dst(%arg6 : memref<10x8x125xi32, #tpu.memory_space<vmem>>)
      tpu.yield
    }) : () -> ()
    %mul3A_1 = arith.constant 632 : i32
    %mul3A_2 = arith.muli %arg1, %mul3A_1 : i32
    "tpu.region"() ({
      %run_scoped3A_46 = tpu.sem_alloc : memref<!tpu.dma_semaphore, #tpu.memory_space<semaphore_mem>>
      %dma_start3A_47 = arith.constant 0 : i32
      %dma_start3A_48 = tpu.memref_slice %arg13[%mul3A_2, %dma_start3A_47] : memref<10112x128xf32, #tpu.memory_space<vmem_shared>> -> memref<632x128xf32, #tpu.memory_space<vmem_shared>>
      tpu.enqueue_dma source(%arg4 : memref<632x128xf32, #tpu.memory_space<hbm>>) target(%dma_start3A_48 : memref<632x128xf32, #tpu.memory_space<vmem_shared>>) target_semaphore(%run_scoped3A_46 : memref<!tpu.dma_semaphore, #tpu.memory_space<semaphore_mem>>)
      %dma_wait3A = arith.constant 0 : i32
      %dma_wait3A_49 = tpu.memref_slice %arg13[%mul3A_2, %dma_wait3A] : memref<10112x128xf32, #tpu.memory_space<vmem_shared>> -> memref<632x128xf32, #tpu.memory_space<vmem_shared>>
      tpu.wait_dma2 semaphore(%run_scoped3A_46 : memref<!tpu.dma_semaphore, #tpu.memory_space<semaphore_mem>>) src(%arg4 : memref<632x128xf32, #tpu.memory_space<hbm>>) dst(%dma_wait3A_49 : memref<632x128xf32, #tpu.memory_space<vmem_shared>>)
      tpu.yield
    }) : () -> ()
    %dma_start3A = arith.constant 1 : i32
    %dma_start3A_3 = arith.constant 0 : i32
    %dma_start3A_4 = arith.constant 0 : i32
    %dma_start3A_5 = arith.constant 0 : i32
    %dma_start3A_6 = arith.constant 0 : i32
    %dma_start3A_7 = tpu.memref_slice %arg7[%dma_start3A_4, %dma_start3A_5, %dma_start3A_6] : memref<2x8x125xi32, #tpu.memory_space<vmem>> -> memref<1x8x125xi32, #tpu.memory_space<vmem>>
    %dma_start3A_8 = tpu.memref_squeeze %dma_start3A_7 : memref<1x8x125xi32, #tpu.memory_space<vmem>> -> memref<8x125xi32, #tpu.memory_space<vmem>>
    %dma_start3A_9 = arith.constant 0 : i32
    %dma_start3A_10 = arith.constant 0 : i32
    %dma_start3A_11 = tpu.memref_slice %arg2[%dma_start3A, %add3A, %dma_start3A_3, %dma_start3A_9, %dma_start3A_10] : memref<2x32x10x8x125xi32, #tpu.memory_space<hbm>> -> memref<1x1x1x8x125xi32, #tpu.memory_space<hbm>>
    %dma_start3A_12 = tpu.memref_squeeze %dma_start3A_11 : memref<1x1x1x8x125xi32, #tpu.memory_space<hbm>> -> memref<8x125xi32, #tpu.memory_space<hbm>>
    %dma_start3A_13 = arith.constant 0 : i32
    %dma_start3A_14 = arith.constant 0 : i32
    %dma_start3A_15 = tpu.memref_slice %arg7[%dma_start3A_4, %dma_start3A_13, %dma_start3A_14] : memref<2x8x125xi32, #tpu.memory_space<vmem>> -> memref<1x8x125xi32, #tpu.memory_space<vmem>>
    %dma_start3A_16 = tpu.memref_squeeze %dma_start3A_15 : memref<1x8x125xi32, #tpu.memory_space<vmem>> -> memref<8x125xi32, #tpu.memory_space<vmem>>
    %dma_start3A_17 = arith.constant 0 : i32
    %dma_start3A_18 = arith.constant 0 : i32
    %dma_start3A_19 = tpu.memref_slice %arg2[%dma_start3A, %add3A, %dma_start3A_3, %dma_start3A_17, %dma_start3A_18] : memref<2x32x10x8x125xi32, #tpu.memory_space<hbm>> -> memref<1x1x1x8x125xi32, #tpu.memory_space<hbm>>
    %dma_start3A_20 = tpu.memref_squeeze %dma_start3A_19 : memref<1x1x1x8x125xi32, #tpu.memory_space<hbm>> -> memref<8x125xi32, #tpu.memory_space<hbm>>
    tpu.enqueue_dma source(%dma_start3A_20 : memref<8x125xi32, #tpu.memory_space<hbm>>) target(%dma_start3A_16 : memref<8x125xi32, #tpu.memory_space<vmem>>) target_semaphore(%arg10 : memref<!tpu.dma_semaphore, #tpu.memory_space<semaphore_mem>>)
    %dma_start3A_21 = arith.constant 0 : i32
    %dma_start3A_22 = arith.constant 0 : i32
    %dma_start3A_23 = arith.constant 0 : i32
    %dma_start3A_24 = tpu.memref_slice %arg6[%dma_start3A_21, %dma_start3A_22, %dma_start3A_23] : memref<10x8x125xi32, #tpu.memory_space<vmem>> -> memref<1x1x125xi32, #tpu.memory_space<vmem>>
    %dma_start3A_25 = tpu.memref_squeeze %dma_start3A_24 : memref<1x1x125xi32, #tpu.memory_space<vmem>> -> memref<125xi32, #tpu.memory_space<vmem>>
    %dma_start3A_26 = arith.constant 0 : i32
    %dma_start3A_27 = arith.constant 0 : i32
    %dma_start3A_28 = tpu.memref_slice %arg3[%dma_start3A_26, %dma_start3A_27] : memref<10000x128xf32, #tpu.memory_space<hbm>> -> memref<10000x128xf32, #tpu.memory_space<hbm>>
    tpu.enqueue_indirect_dma source(%dma_start3A_28 : memref<10000x128xf32, #tpu.memory_space<hbm>>) target(%arg8 : memref<125x128xf32, #tpu.memory_space<vmem>>) offsets(%dma_start3A_25 : memref<125xi32, #tpu.memory_space<vmem>>) semaphore(%arg11 : memref<!tpu.dma_semaphore, #tpu.memory_space<semaphore_mem>>)
    %dma_start3A_29 = arith.constant 0 : i32
    %dma_start3A_30 = arith.constant 1 : i32
    %dma_start3A_31 = arith.constant 0 : i32
    %dma_start3A_32 = tpu.memref_slice %arg6[%dma_start3A_29, %dma_start3A_30, %dma_start3A_31] : memref<10x8x125xi32, #tpu.memory_space<vmem>> -> memref<1x1x125xi32, #tpu.memory_space<vmem>>
    %dma_start3A_33 = tpu.memref_squeeze %dma_start3A_32 : memref<1x1x125xi32, #tpu.memory_space<vmem>> -> memref<125xi32, #tpu.memory_space<vmem>>
    %dma_start3A_34 = arith.constant 0 : i32
    %dma_start3A_35 = arith.constant 0 : i32
    %dma_start3A_36 = tpu.memref_slice %arg3[%dma_start3A_34, %dma_start3A_35] : memref<10000x128xf32, #tpu.memory_space<hbm>> -> memref<10000x128xf32, #tpu.memory_space<hbm>>
    tpu.enqueue_indirect_dma source(%dma_start3A_36 : memref<10000x128xf32, #tpu.memory_space<hbm>>) target(%arg9 : memref<125x128xf32, #tpu.memory_space<vmem>>) offsets(%dma_start3A_33 : memref<125xi32, #tpu.memory_space<vmem>>) semaphore(%arg12 : memref<!tpu.dma_semaphore, #tpu.memory_space<semaphore_mem>>)
    %barrier3A = arith.constant 0 : index
    tpu.barrier barrier_id(%barrier3A)
    %scan3A = arith.constant 0 : i32
    %scan3A_37 = arith.constant 10 : i32
    %scan3A_38 = arith.addi %scan3A, %scan3A_37 : i32
    %scan3A_39 = arith.constant 1 : i32
    scf.for %scan3A_46 = %scan3A to %scan3A_38 step %scan3A_39  : i32 {
      %rem3A = arith.constant 2 : i32
      %rem3A_47 = arith.remsi %scan3A_46, %rem3A : i32
      %dma_wait3A = arith.constant 1 : i32
      %dma_wait3A_48 = arith.constant 0 : i32
      %dma_wait3A_49 = arith.constant 0 : i32
      %dma_wait3A_50 = tpu.memref_slice %arg7[%rem3A_47, %dma_wait3A_48, %dma_wait3A_49] : memref<2x8x125xi32, #tpu.memory_space<vmem>> -> memref<1x8x125xi32, #tpu.memory_space<vmem>>
      %dma_wait3A_51 = tpu.memref_squeeze %dma_wait3A_50 : memref<1x8x125xi32, #tpu.memory_space<vmem>> -> memref<8x125xi32, #tpu.memory_space<vmem>>
      %dma_wait3A_52 = arith.constant 0 : i32
      %dma_wait3A_53 = arith.constant 0 : i32
      %dma_wait3A_54 = tpu.memref_slice %arg2[%dma_wait3A, %add3A, %scan3A_46, %dma_wait3A_52, %dma_wait3A_53] : memref<2x32x10x8x125xi32, #tpu.memory_space<hbm>> -> memref<1x1x1x8x125xi32, #tpu.memory_space<hbm>>
      %dma_wait3A_55 = tpu.memref_squeeze %dma_wait3A_54 : memref<1x1x1x8x125xi32, #tpu.memory_space<hbm>> -> memref<8x125xi32, #tpu.memory_space<hbm>>
      %dma_wait3A_56 = arith.constant 0 : i32
      %dma_wait3A_57 = arith.constant 0 : i32
      %dma_wait3A_58 = tpu.memref_slice %arg7[%rem3A_47, %dma_wait3A_56, %dma_wait3A_57] : memref<2x8x125xi32, #tpu.memory_space<vmem>> -> memref<1x8x125xi32, #tpu.memory_space<vmem>>
      %dma_wait3A_59 = tpu.memref_squeeze %dma_wait3A_58 : memref<1x8x125xi32, #tpu.memory_space<vmem>> -> memref<8x125xi32, #tpu.memory_space<vmem>>
      %dma_wait3A_60 = arith.constant 0 : i32
      %dma_wait3A_61 = arith.constant 0 : i32
      %dma_wait3A_62 = tpu.memref_slice %arg2[%dma_wait3A, %add3A, %scan3A_46, %dma_wait3A_60, %dma_wait3A_61] : memref<2x32x10x8x125xi32, #tpu.memory_space<hbm>> -> memref<1x1x1x8x125xi32, #tpu.memory_space<hbm>>
      %dma_wait3A_63 = tpu.memref_squeeze %dma_wait3A_62 : memref<1x1x1x8x125xi32, #tpu.memory_space<hbm>> -> memref<8x125xi32, #tpu.memory_space<hbm>>
      tpu.wait_dma2 semaphore(%arg10 : memref<!tpu.dma_semaphore, #tpu.memory_space<semaphore_mem>>) src(%dma_wait3A_63 : memref<8x125xi32, #tpu.memory_space<hbm>>) dst(%dma_wait3A_59 : memref<8x125xi32, #tpu.memory_space<vmem>>)
      %add3A_64 = arith.constant 1 : i32
      %add3A_65 = arith.addi %scan3A_46, %add3A_64 : i32
      %lt3A = arith.constant 10 : i32
      %lt3A_66 = arith.cmpi slt, %add3A_65, %lt3A : i32
      %convert_element_type3A = arith.extui %lt3A_66 : i1 to i32
      %cond3A = arith.constant 0 : i32
      %cond3A_67 = arith.cmpi ne, %convert_element_type3A, %cond3A : i32
      scf.if %cond3A_67 {
        %add3A_220 = arith.constant 1 : i32
        %add3A_221 = arith.addi %scan3A_46, %add3A_220 : i32
        %sub3A = arith.constant 1 : i32
        %sub3A_222 = arith.subi %sub3A, %rem3A_47 : i32
        %dma_start3A_223 = arith.constant 1 : i32
        %dma_start3A_224 = arith.constant 0 : i32
        %dma_start3A_225 = arith.constant 0 : i32
        %dma_start3A_226 = tpu.memref_slice %arg7[%sub3A_222, %dma_start3A_224, %dma_start3A_225] : memref<2x8x125xi32, #tpu.memory_space<vmem>> -> memref<1x8x125xi32, #tpu.memory_space<vmem>>
        %dma_start3A_227 = tpu.memref_squeeze %dma_start3A_226 : memref<1x8x125xi32, #tpu.memory_space<vmem>> -> memref<8x125xi32, #tpu.memory_space<vmem>>
        %dma_start3A_228 = arith.constant 0 : i32
        %dma_start3A_229 = arith.constant 0 : i32
        %dma_start3A_230 = tpu.memref_slice %arg2[%dma_start3A_223, %add3A, %add3A_221, %dma_start3A_228, %dma_start3A_229] : memref<2x32x10x8x125xi32, #tpu.memory_space<hbm>> -> memref<1x1x1x8x125xi32, #tpu.memory_space<hbm>>
        %dma_start3A_231 = tpu.memref_squeeze %dma_start3A_230 : memref<1x1x1x8x125xi32, #tpu.memory_space<hbm>> -> memref<8x125xi32, #tpu.memory_space<hbm>>
        %dma_start3A_232 = arith.constant 0 : i32
        %dma_start3A_233 = arith.constant 0 : i32
        %dma_start3A_234 = tpu.memref_slice %arg7[%sub3A_222, %dma_start3A_232, %dma_start3A_233] : memref<2x8x125xi32, #tpu.memory_space<vmem>> -> memref<1x8x125xi32, #tpu.memory_space<vmem>>
        %dma_start3A_235 = tpu.memref_squeeze %dma_start3A_234 : memref<1x8x125xi32, #tpu.memory_space<vmem>> -> memref<8x125xi32, #tpu.memory_space<vmem>>
        %dma_start3A_236 = arith.constant 0 : i32
        %dma_start3A_237 = arith.constant 0 : i32
        %dma_start3A_238 = tpu.memref_slice %arg2[%dma_start3A_223, %add3A, %add3A_221, %dma_start3A_236, %dma_start3A_237] : memref<2x32x10x8x125xi32, #tpu.memory_space<hbm>> -> memref<1x1x1x8x125xi32, #tpu.memory_space<hbm>>
        %dma_start3A_239 = tpu.memref_squeeze %dma_start3A_238 : memref<1x1x1x8x125xi32, #tpu.memory_space<hbm>> -> memref<8x125xi32, #tpu.memory_space<hbm>>
        tpu.enqueue_dma source(%dma_start3A_239 : memref<8x125xi32, #tpu.memory_space<hbm>>) target(%dma_start3A_235 : memref<8x125xi32, #tpu.memory_space<vmem>>) target_semaphore(%arg10 : memref<!tpu.dma_semaphore, #tpu.memory_space<semaphore_mem>>)
      } else {
      }
      %dma_wait3A_68 = arith.constant 0 : i32
      %dma_wait3A_69 = arith.constant 0 : i32
      %dma_wait3A_70 = tpu.memref_slice %arg6[%scan3A_46, %dma_wait3A_68, %dma_wait3A_69] : memref<10x8x125xi32, #tpu.memory_space<vmem>> -> memref<1x1x125xi32, #tpu.memory_space<vmem>>
      %dma_wait3A_71 = tpu.memref_squeeze %dma_wait3A_70 : memref<1x1x125xi32, #tpu.memory_space<vmem>> -> memref<125xi32, #tpu.memory_space<vmem>>
      %dma_wait3A_72 = arith.constant 0 : i32
      %dma_wait3A_73 = arith.constant 0 : i32
      %dma_wait3A_74 = tpu.memref_slice %arg3[%dma_wait3A_72, %dma_wait3A_73] : memref<10000x128xf32, #tpu.memory_space<hbm>> -> memref<10000x128xf32, #tpu.memory_space<hbm>>
      tpu.wait_indirect_dma semaphore(%arg11 : memref<!tpu.dma_semaphore, #tpu.memory_space<semaphore_mem>>) src(%dma_wait3A_74 : memref<10000x128xf32, #tpu.memory_space<hbm>>) dst(%arg8 : memref<125x128xf32, #tpu.memory_space<vmem>>)
      %run_scoped3A_75 = arith.constant 0 : i32
      "tpu.region"() ({
        %run_scoped3A_220 = tpu.sem_alloc : memref<!tpu.dma_semaphore, #tpu.memory_space<semaphore_mem>>
        %dma_start3A_221 = arith.constant 0 : i32
        %dma_start3A_222 = tpu.memref_slice %arg7[%rem3A_47, %run_scoped3A_75, %dma_start3A_221] : memref<2x8x125xi32, #tpu.memory_space<vmem>> -> memref<1x1x125xi32, #tpu.memory_space<vmem>>
        %dma_start3A_223 = tpu.memref_squeeze %dma_start3A_222 : memref<1x1x125xi32, #tpu.memory_space<vmem>> -> memref<125xi32, #tpu.memory_space<vmem>>
        %dma_start3A_224 = arith.constant 0 : i32
        %dma_start3A_225 = arith.constant 0 : i32
        %dma_start3A_226 = tpu.memref_slice %arg13[%dma_start3A_224, %dma_start3A_225] : memref<10112x128xf32, #tpu.memory_space<vmem_shared>> -> memref<10112x128xf32, #tpu.memory_space<vmem_shared>>
        tpu.enqueue_indirect_dma source(%arg8 : memref<125x128xf32, #tpu.memory_space<vmem>>) target(%dma_start3A_226 : memref<10112x128xf32, #tpu.memory_space<vmem_shared>>) offsets(%dma_start3A_223 : memref<125xi32, #tpu.memory_space<vmem>>) semaphore(%run_scoped3A_220 : memref<!tpu.dma_semaphore, #tpu.memory_space<semaphore_mem>>) {add = true}
        %dma_wait3A_227 = arith.constant 0 : i32
        %dma_wait3A_228 = tpu.memref_slice %arg7[%rem3A_47, %run_scoped3A_75, %dma_wait3A_227] : memref<2x8x125xi32, #tpu.memory_space<vmem>> -> memref<1x1x125xi32, #tpu.memory_space<vmem>>
        %dma_wait3A_229 = tpu.memref_squeeze %dma_wait3A_228 : memref<1x1x125xi32, #tpu.memory_space<vmem>> -> memref<125xi32, #tpu.memory_space<vmem>>
        %dma_wait3A_230 = arith.constant 0 : i32
        %dma_wait3A_231 = arith.constant 0 : i32
        %dma_wait3A_232 = tpu.memref_slice %arg13[%dma_wait3A_230, %dma_wait3A_231] : memref<10112x128xf32, #tpu.memory_space<vmem_shared>> -> memref<10112x128xf32, #tpu.memory_space<vmem_shared>>
        tpu.wait_indirect_dma semaphore(%run_scoped3A_220 : memref<!tpu.dma_semaphore, #tpu.memory_space<semaphore_mem>>) src(%arg8 : memref<125x128xf32, #tpu.memory_space<vmem>>) dst(%dma_wait3A_232 : memref<10112x128xf32, #tpu.memory_space<vmem_shared>>)
        tpu.yield
      }) : () -> ()
      %mul3A_76 = arith.constant 8 : i32
      %mul3A_77 = arith.muli %scan3A_46, %mul3A_76 : i32
      %add3A_78 = arith.constant 0 : i32
      %add3A_79 = arith.addi %mul3A_77, %add3A_78 : i32
      %add3A_80 = arith.constant 2 : i32
      %add3A_81 = arith.addi %add3A_79, %add3A_80 : i32
      %lt3A_82 = arith.constant 80 : i32
      %lt3A_83 = arith.cmpi slt, %add3A_81, %lt3A_82 : i32
      %convert_element_type3A_84 = arith.extui %lt3A_83 : i1 to i32
      %cond3A_85 = arith.constant 0 : i32
      %cond3A_86 = arith.cmpi ne, %convert_element_type3A_84, %cond3A_85 : i32
      scf.if %cond3A_86 {
        %mul3A_220 = arith.constant 8 : i32
        %mul3A_221 = arith.muli %scan3A_46, %mul3A_220 : i32
        %add3A_222 = arith.constant 0 : i32
        %add3A_223 = arith.addi %mul3A_221, %add3A_222 : i32
        %add3A_224 = arith.constant 2 : i32
        %add3A_225 = arith.addi %add3A_223, %add3A_224 : i32
        %jit3A = arith.constant 8 : i32
        %div3A = arith.divsi %add3A_225, %jit3A : i32
        %sign3A = arith.constant 0 : i32
        %sign3A_226 = arith.cmpi sgt, %add3A_225, %sign3A : i32
        %sign3A_227 = arith.extui %sign3A_226 : i1 to i32
        %sign3A_228 = arith.constant 0 : i32
        %sign3A_229 = arith.cmpi slt, %add3A_225, %sign3A_228 : i32
        %sign3A_230 = arith.extui %sign3A_229 : i1 to i32
        %sign3A_231 = arith.subi %sign3A_227, %sign3A_230 : i32
        %sign3A_232 = arith.constant 0 : i32
        %sign3A_233 = arith.cmpi sgt, %jit3A, %sign3A_232 : i32
        %sign3A_234 = arith.extui %sign3A_233 : i1 to i32
        %sign3A_235 = arith.constant 0 : i32
        %sign3A_236 = arith.cmpi slt, %jit3A, %sign3A_235 : i32
        %sign3A_237 = arith.extui %sign3A_236 : i1 to i32
        %sign3A_238 = arith.subi %sign3A_234, %sign3A_237 : i32
        %ne3A = arith.cmpi ne, %sign3A_231, %sign3A_238 : i32
        %rem3A_239 = arith.remsi %add3A_225, %jit3A : i32
        %ne3A_240 = arith.constant 0 : i32
        %ne3A_241 = arith.cmpi ne, %rem3A_239, %ne3A_240 : i32
        %and3A = arith.andi %ne3A, %ne3A_241 : i1
        %sub3A = arith.constant 1 : i32
        %sub3A_242 = arith.subi %div3A, %sub3A : i32
        %select_n3A = arith.select %and3A, %sub3A_242, %div3A : i32
        %dma_start3A_243 = arith.constant 2 : i32
        %dma_start3A_244 = arith.constant 0 : i32
        %dma_start3A_245 = tpu.memref_slice %arg6[%select_n3A, %dma_start3A_243, %dma_start3A_244] : memref<10x8x125xi32, #tpu.memory_space<vmem>> -> memref<1x1x125xi32, #tpu.memory_space<vmem>>
        %dma_start3A_246 = tpu.memref_squeeze %dma_start3A_245 : memref<1x1x125xi32, #tpu.memory_space<vmem>> -> memref<125xi32, #tpu.memory_space<vmem>>
        %dma_start3A_247 = arith.constant 0 : i32
        %dma_start3A_248 = arith.constant 0 : i32
        %dma_start3A_249 = tpu.memref_slice %arg3[%dma_start3A_247, %dma_start3A_248] : memref<10000x128xf32, #tpu.memory_space<hbm>> -> memref<10000x128xf32, #tpu.memory_space<hbm>>
        tpu.enqueue_indirect_dma source(%dma_start3A_249 : memref<10000x128xf32, #tpu.memory_space<hbm>>) target(%arg8 : memref<125x128xf32, #tpu.memory_space<vmem>>) offsets(%dma_start3A_246 : memref<125xi32, #tpu.memory_space<vmem>>) semaphore(%arg11 : memref<!tpu.dma_semaphore, #tpu.memory_space<semaphore_mem>>)
      } else {
      }
      %dma_wait3A_87 = arith.constant 1 : i32
      %dma_wait3A_88 = arith.constant 0 : i32
      %dma_wait3A_89 = tpu.memref_slice %arg6[%scan3A_46, %dma_wait3A_87, %dma_wait3A_88] : memref<10x8x125xi32, #tpu.memory_space<vmem>> -> memref<1x1x125xi32, #tpu.memory_space<vmem>>
      %dma_wait3A_90 = tpu.memref_squeeze %dma_wait3A_89 : memref<1x1x125xi32, #tpu.memory_space<vmem>> -> memref<125xi32, #tpu.memory_space<vmem>>
      %dma_wait3A_91 = arith.constant 0 : i32
      %dma_wait3A_92 = arith.constant 0 : i32
      %dma_wait3A_93 = tpu.memref_slice %arg3[%dma_wait3A_91, %dma_wait3A_92] : memref<10000x128xf32, #tpu.memory_space<hbm>> -> memref<10000x128xf32, #tpu.memory_space<hbm>>
      tpu.wait_indirect_dma semaphore(%arg12 : memref<!tpu.dma_semaphore, #tpu.memory_space<semaphore_mem>>) src(%dma_wait3A_93 : memref<10000x128xf32, #tpu.memory_space<hbm>>) dst(%arg9 : memref<125x128xf32, #tpu.memory_space<vmem>>)
      %run_scoped3A_94 = arith.constant 1 : i32
      "tpu.region"() ({
        %run_scoped3A_220 = tpu.sem_alloc : memref<!tpu.dma_semaphore, #tpu.memory_space<semaphore_mem>>
        %dma_start3A_221 = arith.constant 0 : i32
        %dma_start3A_222 = tpu.memref_slice %arg7[%rem3A_47, %run_scoped3A_94, %dma_start3A_221] : memref<2x8x125xi32, #tpu.memory_space<vmem>> -> memref<1x1x125xi32, #tpu.memory_space<vmem>>
        %dma_start3A_223 = tpu.memref_squeeze %dma_start3A_222 : memref<1x1x125xi32, #tpu.memory_space<vmem>> -> memref<125xi32, #tpu.memory_space<vmem>>
        %dma_start3A_224 = arith.constant 0 : i32
        %dma_start3A_225 = arith.constant 0 : i32
        %dma_start3A_226 = tpu.memref_slice %arg13[%dma_start3A_224, %dma_start3A_225] : memref<10112x128xf32, #tpu.memory_space<vmem_shared>> -> memref<10112x128xf32, #tpu.memory_space<vmem_shared>>
        tpu.enqueue_indirect_dma source(%arg9 : memref<125x128xf32, #tpu.memory_space<vmem>>) target(%dma_start3A_226 : memref<10112x128xf32, #tpu.memory_space<vmem_shared>>) offsets(%dma_start3A_223 : memref<125xi32, #tpu.memory_space<vmem>>) semaphore(%run_scoped3A_220 : memref<!tpu.dma_semaphore, #tpu.memory_space<semaphore_mem>>) {add = true}
        %dma_wait3A_227 = arith.constant 0 : i32
        %dma_wait3A_228 = tpu.memref_slice %arg7[%rem3A_47, %run_scoped3A_94, %dma_wait3A_227] : memref<2x8x125xi32, #tpu.memory_space<vmem>> -> memref<1x1x125xi32, #tpu.memory_space<vmem>>
        %dma_wait3A_229 = tpu.memref_squeeze %dma_wait3A_228 : memref<1x1x125xi32, #tpu.memory_space<vmem>> -> memref<125xi32, #tpu.memory_space<vmem>>
        %dma_wait3A_230 = arith.constant 0 : i32
        %dma_wait3A_231 = arith.constant 0 : i32
        %dma_wait3A_232 = tpu.memref_slice %arg13[%dma_wait3A_230, %dma_wait3A_231] : memref<10112x128xf32, #tpu.memory_space<vmem_shared>> -> memref<10112x128xf32, #tpu.memory_space<vmem_shared>>
        tpu.wait_indirect_dma semaphore(%run_scoped3A_220 : memref<!tpu.dma_semaphore, #tpu.memory_space<semaphore_mem>>) src(%arg9 : memref<125x128xf32, #tpu.memory_space<vmem>>) dst(%dma_wait3A_232 : memref<10112x128xf32, #tpu.memory_space<vmem_shared>>)
        tpu.yield
      }) : () -> ()
      %mul3A_95 = arith.constant 8 : i32
      %mul3A_96 = arith.muli %scan3A_46, %mul3A_95 : i32
      %add3A_97 = arith.constant 1 : i32
      %add3A_98 = arith.addi %mul3A_96, %add3A_97 : i32
      %add3A_99 = arith.constant 2 : i32
      %add3A_100 = arith.addi %add3A_98, %add3A_99 : i32
      %lt3A_101 = arith.constant 80 : i32
      %lt3A_102 = arith.cmpi slt, %add3A_100, %lt3A_101 : i32
      %convert_element_type3A_103 = arith.extui %lt3A_102 : i1 to i32
      %cond3A_104 = arith.constant 0 : i32
      %cond3A_105 = arith.cmpi ne, %convert_element_type3A_103, %cond3A_104 : i32
      scf.if %cond3A_105 {
        %mul3A_220 = arith.constant 8 : i32
        %mul3A_221 = arith.muli %scan3A_46, %mul3A_220 : i32
        %add3A_222 = arith.constant 1 : i32
        %add3A_223 = arith.addi %mul3A_221, %add3A_222 : i32
        %add3A_224 = arith.constant 2 : i32
        %add3A_225 = arith.addi %add3A_223, %add3A_224 : i32
        %jit3A = arith.constant 8 : i32
        %div3A = arith.divsi %add3A_225, %jit3A : i32
        %sign3A = arith.constant 0 : i32
        %sign3A_226 = arith.cmpi sgt, %add3A_225, %sign3A : i32
        %sign3A_227 = arith.extui %sign3A_226 : i1 to i32
        %sign3A_228 = arith.constant 0 : i32
        %sign3A_229 = arith.cmpi slt, %add3A_225, %sign3A_228 : i32
        %sign3A_230 = arith.extui %sign3A_229 : i1 to i32
        %sign3A_231 = arith.subi %sign3A_227, %sign3A_230 : i32
        %sign3A_232 = arith.constant 0 : i32
        %sign3A_233 = arith.cmpi sgt, %jit3A, %sign3A_232 : i32
        %sign3A_234 = arith.extui %sign3A_233 : i1 to i32
        %sign3A_235 = arith.constant 0 : i32
        %sign3A_236 = arith.cmpi slt, %jit3A, %sign3A_235 : i32
        %sign3A_237 = arith.extui %sign3A_236 : i1 to i32
        %sign3A_238 = arith.subi %sign3A_234, %sign3A_237 : i32
        %ne3A = arith.cmpi ne, %sign3A_231, %sign3A_238 : i32
        %rem3A_239 = arith.remsi %add3A_225, %jit3A : i32
        %ne3A_240 = arith.constant 0 : i32
        %ne3A_241 = arith.cmpi ne, %rem3A_239, %ne3A_240 : i32
        %and3A = arith.andi %ne3A, %ne3A_241 : i1
        %sub3A = arith.constant 1 : i32
        %sub3A_242 = arith.subi %div3A, %sub3A : i32
        %select_n3A = arith.select %and3A, %sub3A_242, %div3A : i32
        %dma_start3A_243 = arith.constant 3 : i32
        %dma_start3A_244 = arith.constant 0 : i32
        %dma_start3A_245 = tpu.memref_slice %arg6[%select_n3A, %dma_start3A_243, %dma_start3A_244] : memref<10x8x125xi32, #tpu.memory_space<vmem>> -> memref<1x1x125xi32, #tpu.memory_space<vmem>>
        %dma_start3A_246 = tpu.memref_squeeze %dma_start3A_245 : memref<1x1x125xi32, #tpu.memory_space<vmem>> -> memref<125xi32, #tpu.memory_space<vmem>>
        %dma_start3A_247 = arith.constant 0 : i32
        %dma_start3A_248 = arith.constant 0 : i32
        %dma_start3A_249 = tpu.memref_slice %arg3[%dma_start3A_247, %dma_start3A_248] : memref<10000x128xf32, #tpu.memory_space<hbm>> -> memref<10000x128xf32, #tpu.memory_space<hbm>>
        tpu.enqueue_indirect_dma source(%dma_start3A_249 : memref<10000x128xf32, #tpu.memory_space<hbm>>) target(%arg9 : memref<125x128xf32, #tpu.memory_space<vmem>>) offsets(%dma_start3A_246 : memref<125xi32, #tpu.memory_space<vmem>>) semaphore(%arg12 : memref<!tpu.dma_semaphore, #tpu.memory_space<semaphore_mem>>)
      } else {
      }
      %dma_wait3A_106 = arith.constant 2 : i32
      %dma_wait3A_107 = arith.constant 0 : i32
      %dma_wait3A_108 = tpu.memref_slice %arg6[%scan3A_46, %dma_wait3A_106, %dma_wait3A_107] : memref<10x8x125xi32, #tpu.memory_space<vmem>> -> memref<1x1x125xi32, #tpu.memory_space<vmem>>
      %dma_wait3A_109 = tpu.memref_squeeze %dma_wait3A_108 : memref<1x1x125xi32, #tpu.memory_space<vmem>> -> memref<125xi32, #tpu.memory_space<vmem>>
      %dma_wait3A_110 = arith.constant 0 : i32
      %dma_wait3A_111 = arith.constant 0 : i32
      %dma_wait3A_112 = tpu.memref_slice %arg3[%dma_wait3A_110, %dma_wait3A_111] : memref<10000x128xf32, #tpu.memory_space<hbm>> -> memref<10000x128xf32, #tpu.memory_space<hbm>>
      tpu.wait_indirect_dma semaphore(%arg11 : memref<!tpu.dma_semaphore, #tpu.memory_space<semaphore_mem>>) src(%dma_wait3A_112 : memref<10000x128xf32, #tpu.memory_space<hbm>>) dst(%arg8 : memref<125x128xf32, #tpu.memory_space<vmem>>)
      %run_scoped3A_113 = arith.constant 2 : i32
      "tpu.region"() ({
        %run_scoped3A_220 = tpu.sem_alloc : memref<!tpu.dma_semaphore, #tpu.memory_space<semaphore_mem>>
        %dma_start3A_221 = arith.constant 0 : i32
        %dma_start3A_222 = tpu.memref_slice %arg7[%rem3A_47, %run_scoped3A_113, %dma_start3A_221] : memref<2x8x125xi32, #tpu.memory_space<vmem>> -> memref<1x1x125xi32, #tpu.memory_space<vmem>>
        %dma_start3A_223 = tpu.memref_squeeze %dma_start3A_222 : memref<1x1x125xi32, #tpu.memory_space<vmem>> -> memref<125xi32, #tpu.memory_space<vmem>>
        %dma_start3A_224 = arith.constant 0 : i32
        %dma_start3A_225 = arith.constant 0 : i32
        %dma_start3A_226 = tpu.memref_slice %arg13[%dma_start3A_224, %dma_start3A_225] : memref<10112x128xf32, #tpu.memory_space<vmem_shared>> -> memref<10112x128xf32, #tpu.memory_space<vmem_shared>>
        tpu.enqueue_indirect_dma source(%arg8 : memref<125x128xf32, #tpu.memory_space<vmem>>) target(%dma_start3A_226 : memref<10112x128xf32, #tpu.memory_space<vmem_shared>>) offsets(%dma_start3A_223 : memref<125xi32, #tpu.memory_space<vmem>>) semaphore(%run_scoped3A_220 : memref<!tpu.dma_semaphore, #tpu.memory_space<semaphore_mem>>) {add = true}
        %dma_wait3A_227 = arith.constant 0 : i32
        %dma_wait3A_228 = tpu.memref_slice %arg7[%rem3A_47, %run_scoped3A_113, %dma_wait3A_227] : memref<2x8x125xi32, #tpu.memory_space<vmem>> -> memref<1x1x125xi32, #tpu.memory_space<vmem>>
        %dma_wait3A_229 = tpu.memref_squeeze %dma_wait3A_228 : memref<1x1x125xi32, #tpu.memory_space<vmem>> -> memref<125xi32, #tpu.memory_space<vmem>>
        %dma_wait3A_230 = arith.constant 0 : i32
        %dma_wait3A_231 = arith.constant 0 : i32
        %dma_wait3A_232 = tpu.memref_slice %arg13[%dma_wait3A_230, %dma_wait3A_231] : memref<10112x128xf32, #tpu.memory_space<vmem_shared>> -> memref<10112x128xf32, #tpu.memory_space<vmem_shared>>
        tpu.wait_indirect_dma semaphore(%run_scoped3A_220 : memref<!tpu.dma_semaphore, #tpu.memory_space<semaphore_mem>>) src(%arg8 : memref<125x128xf32, #tpu.memory_space<vmem>>) dst(%dma_wait3A_232 : memref<10112x128xf32, #tpu.memory_space<vmem_shared>>)
        tpu.yield
      }) : () -> ()
      %mul3A_114 = arith.constant 8 : i32
      %mul3A_115 = arith.muli %scan3A_46, %mul3A_114 : i32
      %add3A_116 = arith.constant 2 : i32
      %add3A_117 = arith.addi %mul3A_115, %add3A_116 : i32
      %add3A_118 = arith.constant 2 : i32
      %add3A_119 = arith.addi %add3A_117, %add3A_118 : i32
      %lt3A_120 = arith.constant 80 : i32
      %lt3A_121 = arith.cmpi slt, %add3A_119, %lt3A_120 : i32
      %convert_element_type3A_122 = arith.extui %lt3A_121 : i1 to i32
      %cond3A_123 = arith.constant 0 : i32
      %cond3A_124 = arith.cmpi ne, %convert_element_type3A_122, %cond3A_123 : i32
      scf.if %cond3A_124 {
        %mul3A_220 = arith.constant 8 : i32
        %mul3A_221 = arith.muli %scan3A_46, %mul3A_220 : i32
        %add3A_222 = arith.constant 2 : i32
        %add3A_223 = arith.addi %mul3A_221, %add3A_222 : i32
        %add3A_224 = arith.constant 2 : i32
        %add3A_225 = arith.addi %add3A_223, %add3A_224 : i32
        %jit3A = arith.constant 8 : i32
        %div3A = arith.divsi %add3A_225, %jit3A : i32
        %sign3A = arith.constant 0 : i32
        %sign3A_226 = arith.cmpi sgt, %add3A_225, %sign3A : i32
        %sign3A_227 = arith.extui %sign3A_226 : i1 to i32
        %sign3A_228 = arith.constant 0 : i32
        %sign3A_229 = arith.cmpi slt, %add3A_225, %sign3A_228 : i32
        %sign3A_230 = arith.extui %sign3A_229 : i1 to i32
        %sign3A_231 = arith.subi %sign3A_227, %sign3A_230 : i32
        %sign3A_232 = arith.constant 0 : i32
        %sign3A_233 = arith.cmpi sgt, %jit3A, %sign3A_232 : i32
        %sign3A_234 = arith.extui %sign3A_233 : i1 to i32
        %sign3A_235 = arith.constant 0 : i32
        %sign3A_236 = arith.cmpi slt, %jit3A, %sign3A_235 : i32
        %sign3A_237 = arith.extui %sign3A_236 : i1 to i32
        %sign3A_238 = arith.subi %sign3A_234, %sign3A_237 : i32
        %ne3A = arith.cmpi ne, %sign3A_231, %sign3A_238 : i32
        %rem3A_239 = arith.remsi %add3A_225, %jit3A : i32
        %ne3A_240 = arith.constant 0 : i32
        %ne3A_241 = arith.cmpi ne, %rem3A_239, %ne3A_240 : i32
        %and3A = arith.andi %ne3A, %ne3A_241 : i1
        %sub3A = arith.constant 1 : i32
        %sub3A_242 = arith.subi %div3A, %sub3A : i32
        %select_n3A = arith.select %and3A, %sub3A_242, %div3A : i32
        %dma_start3A_243 = arith.constant 4 : i32
        %dma_start3A_244 = arith.constant 0 : i32
        %dma_start3A_245 = tpu.memref_slice %arg6[%select_n3A, %dma_start3A_243, %dma_start3A_244] : memref<10x8x125xi32, #tpu.memory_space<vmem>> -> memref<1x1x125xi32, #tpu.memory_space<vmem>>
        %dma_start3A_246 = tpu.memref_squeeze %dma_start3A_245 : memref<1x1x125xi32, #tpu.memory_space<vmem>> -> memref<125xi32, #tpu.memory_space<vmem>>
        %dma_start3A_247 = arith.constant 0 : i32
        %dma_start3A_248 = arith.constant 0 : i32
        %dma_start3A_249 = tpu.memref_slice %arg3[%dma_start3A_247, %dma_start3A_248] : memref<10000x128xf32, #tpu.memory_space<hbm>> -> memref<10000x128xf32, #tpu.memory_space<hbm>>
        tpu.enqueue_indirect_dma source(%dma_start3A_249 : memref<10000x128xf32, #tpu.memory_space<hbm>>) target(%arg8 : memref<125x128xf32, #tpu.memory_space<vmem>>) offsets(%dma_start3A_246 : memref<125xi32, #tpu.memory_space<vmem>>) semaphore(%arg11 : memref<!tpu.dma_semaphore, #tpu.memory_space<semaphore_mem>>)
      } else {
      }
      %dma_wait3A_125 = arith.constant 3 : i32
      %dma_wait3A_126 = arith.constant 0 : i32
      %dma_wait3A_127 = tpu.memref_slice %arg6[%scan3A_46, %dma_wait3A_125, %dma_wait3A_126] : memref<10x8x125xi32, #tpu.memory_space<vmem>> -> memref<1x1x125xi32, #tpu.memory_space<vmem>>
      %dma_wait3A_128 = tpu.memref_squeeze %dma_wait3A_127 : memref<1x1x125xi32, #tpu.memory_space<vmem>> -> memref<125xi32, #tpu.memory_space<vmem>>
      %dma_wait3A_129 = arith.constant 0 : i32
      %dma_wait3A_130 = arith.constant 0 : i32
      %dma_wait3A_131 = tpu.memref_slice %arg3[%dma_wait3A_129, %dma_wait3A_130] : memref<10000x128xf32, #tpu.memory_space<hbm>> -> memref<10000x128xf32, #tpu.memory_space<hbm>>
      tpu.wait_indirect_dma semaphore(%arg12 : memref<!tpu.dma_semaphore, #tpu.memory_space<semaphore_mem>>) src(%dma_wait3A_131 : memref<10000x128xf32, #tpu.memory_space<hbm>>) dst(%arg9 : memref<125x128xf32, #tpu.memory_space<vmem>>)
      %run_scoped3A_132 = arith.constant 3 : i32
      "tpu.region"() ({
        %run_scoped3A_220 = tpu.sem_alloc : memref<!tpu.dma_semaphore, #tpu.memory_space<semaphore_mem>>
        %dma_start3A_221 = arith.constant 0 : i32
        %dma_start3A_222 = tpu.memref_slice %arg7[%rem3A_47, %run_scoped3A_132, %dma_start3A_221] : memref<2x8x125xi32, #tpu.memory_space<vmem>> -> memref<1x1x125xi32, #tpu.memory_space<vmem>>
        %dma_start3A_223 = tpu.memref_squeeze %dma_start3A_222 : memref<1x1x125xi32, #tpu.memory_space<vmem>> -> memref<125xi32, #tpu.memory_space<vmem>>
        %dma_start3A_224 = arith.constant 0 : i32
        %dma_start3A_225 = arith.constant 0 : i32
        %dma_start3A_226 = tpu.memref_slice %arg13[%dma_start3A_224, %dma_start3A_225] : memref<10112x128xf32, #tpu.memory_space<vmem_shared>> -> memref<10112x128xf32, #tpu.memory_space<vmem_shared>>
        tpu.enqueue_indirect_dma source(%arg9 : memref<125x128xf32, #tpu.memory_space<vmem>>) target(%dma_start3A_226 : memref<10112x128xf32, #tpu.memory_space<vmem_shared>>) offsets(%dma_start3A_223 : memref<125xi32, #tpu.memory_space<vmem>>) semaphore(%run_scoped3A_220 : memref<!tpu.dma_semaphore, #tpu.memory_space<semaphore_mem>>) {add = true}
        %dma_wait3A_227 = arith.constant 0 : i32
        %dma_wait3A_228 = tpu.memref_slice %arg7[%rem3A_47, %run_scoped3A_132, %dma_wait3A_227] : memref<2x8x125xi32, #tpu.memory_space<vmem>> -> memref<1x1x125xi32, #tpu.memory_space<vmem>>
        %dma_wait3A_229 = tpu.memref_squeeze %dma_wait3A_228 : memref<1x1x125xi32, #tpu.memory_space<vmem>> -> memref<125xi32, #tpu.memory_space<vmem>>
        %dma_wait3A_230 = arith.constant 0 : i32
        %dma_wait3A_231 = arith.constant 0 : i32
        %dma_wait3A_232 = tpu.memref_slice %arg13[%dma_wait3A_230, %dma_wait3A_231] : memref<10112x128xf32, #tpu.memory_space<vmem_shared>> -> memref<10112x128xf32, #tpu.memory_space<vmem_shared>>
        tpu.wait_indirect_dma semaphore(%run_scoped3A_220 : memref<!tpu.dma_semaphore, #tpu.memory_space<semaphore_mem>>) src(%arg9 : memref<125x128xf32, #tpu.memory_space<vmem>>) dst(%dma_wait3A_232 : memref<10112x128xf32, #tpu.memory_space<vmem_shared>>)
        tpu.yield
      }) : () -> ()
      %mul3A_133 = arith.constant 8 : i32
      %mul3A_134 = arith.muli %scan3A_46, %mul3A_133 : i32
      %add3A_135 = arith.constant 3 : i32
      %add3A_136 = arith.addi %mul3A_134, %add3A_135 : i32
      %add3A_137 = arith.constant 2 : i32
      %add3A_138 = arith.addi %add3A_136, %add3A_137 : i32
      %lt3A_139 = arith.constant 80 : i32
      %lt3A_140 = arith.cmpi slt, %add3A_138, %lt3A_139 : i32
      %convert_element_type3A_141 = arith.extui %lt3A_140 : i1 to i32
      %cond3A_142 = arith.constant 0 : i32
      %cond3A_143 = arith.cmpi ne, %convert_element_type3A_141, %cond3A_142 : i32
      scf.if %cond3A_143 {
        %mul3A_220 = arith.constant 8 : i32
        %mul3A_221 = arith.muli %scan3A_46, %mul3A_220 : i32
        %add3A_222 = arith.constant 3 : i32
        %add3A_223 = arith.addi %mul3A_221, %add3A_222 : i32
        %add3A_224 = arith.constant 2 : i32
        %add3A_225 = arith.addi %add3A_223, %add3A_224 : i32
        %jit3A = arith.constant 8 : i32
        %div3A = arith.divsi %add3A_225, %jit3A : i32
        %sign3A = arith.constant 0 : i32
        %sign3A_226 = arith.cmpi sgt, %add3A_225, %sign3A : i32
        %sign3A_227 = arith.extui %sign3A_226 : i1 to i32
        %sign3A_228 = arith.constant 0 : i32
        %sign3A_229 = arith.cmpi slt, %add3A_225, %sign3A_228 : i32
        %sign3A_230 = arith.extui %sign3A_229 : i1 to i32
        %sign3A_231 = arith.subi %sign3A_227, %sign3A_230 : i32
        %sign3A_232 = arith.constant 0 : i32
        %sign3A_233 = arith.cmpi sgt, %jit3A, %sign3A_232 : i32
        %sign3A_234 = arith.extui %sign3A_233 : i1 to i32
        %sign3A_235 = arith.constant 0 : i32
        %sign3A_236 = arith.cmpi slt, %jit3A, %sign3A_235 : i32
        %sign3A_237 = arith.extui %sign3A_236 : i1 to i32
        %sign3A_238 = arith.subi %sign3A_234, %sign3A_237 : i32
        %ne3A = arith.cmpi ne, %sign3A_231, %sign3A_238 : i32
        %rem3A_239 = arith.remsi %add3A_225, %jit3A : i32
        %ne3A_240 = arith.constant 0 : i32
        %ne3A_241 = arith.cmpi ne, %rem3A_239, %ne3A_240 : i32
        %and3A = arith.andi %ne3A, %ne3A_241 : i1
        %sub3A = arith.constant 1 : i32
        %sub3A_242 = arith.subi %div3A, %sub3A : i32
        %select_n3A = arith.select %and3A, %sub3A_242, %div3A : i32
        %dma_start3A_243 = arith.constant 5 : i32
        %dma_start3A_244 = arith.constant 0 : i32
        %dma_start3A_245 = tpu.memref_slice %arg6[%select_n3A, %dma_start3A_243, %dma_start3A_244] : memref<10x8x125xi32, #tpu.memory_space<vmem>> -> memref<1x1x125xi32, #tpu.memory_space<vmem>>
        %dma_start3A_246 = tpu.memref_squeeze %dma_start3A_245 : memref<1x1x125xi32, #tpu.memory_space<vmem>> -> memref<125xi32, #tpu.memory_space<vmem>>
        %dma_start3A_247 = arith.constant 0 : i32
        %dma_start3A_248 = arith.constant 0 : i32
        %dma_start3A_249 = tpu.memref_slice %arg3[%dma_start3A_247, %dma_start3A_248] : memref<10000x128xf32, #tpu.memory_space<hbm>> -> memref<10000x128xf32, #tpu.memory_space<hbm>>
        tpu.enqueue_indirect_dma source(%dma_start3A_249 : memref<10000x128xf32, #tpu.memory_space<hbm>>) target(%arg9 : memref<125x128xf32, #tpu.memory_space<vmem>>) offsets(%dma_start3A_246 : memref<125xi32, #tpu.memory_space<vmem>>) semaphore(%arg12 : memref<!tpu.dma_semaphore, #tpu.memory_space<semaphore_mem>>)
      } else {
      }
      %dma_wait3A_144 = arith.constant 4 : i32
      %dma_wait3A_145 = arith.constant 0 : i32
      %dma_wait3A_146 = tpu.memref_slice %arg6[%scan3A_46, %dma_wait3A_144, %dma_wait3A_145] : memref<10x8x125xi32, #tpu.memory_space<vmem>> -> memref<1x1x125xi32, #tpu.memory_space<vmem>>
      %dma_wait3A_147 = tpu.memref_squeeze %dma_wait3A_146 : memref<1x1x125xi32, #tpu.memory_space<vmem>> -> memref<125xi32, #tpu.memory_space<vmem>>
      %dma_wait3A_148 = arith.constant 0 : i32
      %dma_wait3A_149 = arith.constant 0 : i32
      %dma_wait3A_150 = tpu.memref_slice %arg3[%dma_wait3A_148, %dma_wait3A_149] : memref<10000x128xf32, #tpu.memory_space<hbm>> -> memref<10000x128xf32, #tpu.memory_space<hbm>>
      tpu.wait_indirect_dma semaphore(%arg11 : memref<!tpu.dma_semaphore, #tpu.memory_space<semaphore_mem>>) src(%dma_wait3A_150 : memref<10000x128xf32, #tpu.memory_space<hbm>>) dst(%arg8 : memref<125x128xf32, #tpu.memory_space<vmem>>)
      %run_scoped3A_151 = arith.constant 4 : i32
      "tpu.region"() ({
        %run_scoped3A_220 = tpu.sem_alloc : memref<!tpu.dma_semaphore, #tpu.memory_space<semaphore_mem>>
        %dma_start3A_221 = arith.constant 0 : i32
        %dma_start3A_222 = tpu.memref_slice %arg7[%rem3A_47, %run_scoped3A_151, %dma_start3A_221] : memref<2x8x125xi32, #tpu.memory_space<vmem>> -> memref<1x1x125xi32, #tpu.memory_space<vmem>>
        %dma_start3A_223 = tpu.memref_squeeze %dma_start3A_222 : memref<1x1x125xi32, #tpu.memory_space<vmem>> -> memref<125xi32, #tpu.memory_space<vmem>>
        %dma_start3A_224 = arith.constant 0 : i32
        %dma_start3A_225 = arith.constant 0 : i32
        %dma_start3A_226 = tpu.memref_slice %arg13[%dma_start3A_224, %dma_start3A_225] : memref<10112x128xf32, #tpu.memory_space<vmem_shared>> -> memref<10112x128xf32, #tpu.memory_space<vmem_shared>>
        tpu.enqueue_indirect_dma source(%arg8 : memref<125x128xf32, #tpu.memory_space<vmem>>) target(%dma_start3A_226 : memref<10112x128xf32, #tpu.memory_space<vmem_shared>>) offsets(%dma_start3A_223 : memref<125xi32, #tpu.memory_space<vmem>>) semaphore(%run_scoped3A_220 : memref<!tpu.dma_semaphore, #tpu.memory_space<semaphore_mem>>) {add = true}
        %dma_wait3A_227 = arith.constant 0 : i32
        %dma_wait3A_228 = tpu.memref_slice %arg7[%rem3A_47, %run_scoped3A_151, %dma_wait3A_227] : memref<2x8x125xi32, #tpu.memory_space<vmem>> -> memref<1x1x125xi32, #tpu.memory_space<vmem>>
        %dma_wait3A_229 = tpu.memref_squeeze %dma_wait3A_228 : memref<1x1x125xi32, #tpu.memory_space<vmem>> -> memref<125xi32, #tpu.memory_space<vmem>>
        %dma_wait3A_230 = arith.constant 0 : i32
        %dma_wait3A_231 = arith.constant 0 : i32
        %dma_wait3A_232 = tpu.memref_slice %arg13[%dma_wait3A_230, %dma_wait3A_231] : memref<10112x128xf32, #tpu.memory_space<vmem_shared>> -> memref<10112x128xf32, #tpu.memory_space<vmem_shared>>
        tpu.wait_indirect_dma semaphore(%run_scoped3A_220 : memref<!tpu.dma_semaphore, #tpu.memory_space<semaphore_mem>>) src(%arg8 : memref<125x128xf32, #tpu.memory_space<vmem>>) dst(%dma_wait3A_232 : memref<10112x128xf32, #tpu.memory_space<vmem_shared>>)
        tpu.yield
      }) : () -> ()
      %mul3A_152 = arith.constant 8 : i32
      %mul3A_153 = arith.muli %scan3A_46, %mul3A_152 : i32
      %add3A_154 = arith.constant 4 : i32
      %add3A_155 = arith.addi %mul3A_153, %add3A_154 : i32
      %add3A_156 = arith.constant 2 : i32
      %add3A_157 = arith.addi %add3A_155, %add3A_156 : i32
      %lt3A_158 = arith.constant 80 : i32
      %lt3A_159 = arith.cmpi slt, %add3A_157, %lt3A_158 : i32
      %convert_element_type3A_160 = arith.extui %lt3A_159 : i1 to i32
      %cond3A_161 = arith.constant 0 : i32
      %cond3A_162 = arith.cmpi ne, %convert_element_type3A_160, %cond3A_161 : i32
      scf.if %cond3A_162 {
        %mul3A_220 = arith.constant 8 : i32
        %mul3A_221 = arith.muli %scan3A_46, %mul3A_220 : i32
        %add3A_222 = arith.constant 4 : i32
        %add3A_223 = arith.addi %mul3A_221, %add3A_222 : i32
        %add3A_224 = arith.constant 2 : i32
        %add3A_225 = arith.addi %add3A_223, %add3A_224 : i32
        %jit3A = arith.constant 8 : i32
        %div3A = arith.divsi %add3A_225, %jit3A : i32
        %sign3A = arith.constant 0 : i32
        %sign3A_226 = arith.cmpi sgt, %add3A_225, %sign3A : i32
        %sign3A_227 = arith.extui %sign3A_226 : i1 to i32
        %sign3A_228 = arith.constant 0 : i32
        %sign3A_229 = arith.cmpi slt, %add3A_225, %sign3A_228 : i32
        %sign3A_230 = arith.extui %sign3A_229 : i1 to i32
        %sign3A_231 = arith.subi %sign3A_227, %sign3A_230 : i32
        %sign3A_232 = arith.constant 0 : i32
        %sign3A_233 = arith.cmpi sgt, %jit3A, %sign3A_232 : i32
        %sign3A_234 = arith.extui %sign3A_233 : i1 to i32
        %sign3A_235 = arith.constant 0 : i32
        %sign3A_236 = arith.cmpi slt, %jit3A, %sign3A_235 : i32
        %sign3A_237 = arith.extui %sign3A_236 : i1 to i32
        %sign3A_238 = arith.subi %sign3A_234, %sign3A_237 : i32
        %ne3A = arith.cmpi ne, %sign3A_231, %sign3A_238 : i32
        %rem3A_239 = arith.remsi %add3A_225, %jit3A : i32
        %ne3A_240 = arith.constant 0 : i32
        %ne3A_241 = arith.cmpi ne, %rem3A_239, %ne3A_240 : i32
        %and3A = arith.andi %ne3A, %ne3A_241 : i1
        %sub3A = arith.constant 1 : i32
        %sub3A_242 = arith.subi %div3A, %sub3A : i32
        %select_n3A = arith.select %and3A, %sub3A_242, %div3A : i32
        %dma_start3A_243 = arith.constant 6 : i32
        %dma_start3A_244 = arith.constant 0 : i32
        %dma_start3A_245 = tpu.memref_slice %arg6[%select_n3A, %dma_start3A_243, %dma_start3A_244] : memref<10x8x125xi32, #tpu.memory_space<vmem>> -> memref<1x1x125xi32, #tpu.memory_space<vmem>>
        %dma_start3A_246 = tpu.memref_squeeze %dma_start3A_245 : memref<1x1x125xi32, #tpu.memory_space<vmem>> -> memref<125xi32, #tpu.memory_space<vmem>>
        %dma_start3A_247 = arith.constant 0 : i32
        %dma_start3A_248 = arith.constant 0 : i32
        %dma_start3A_249 = tpu.memref_slice %arg3[%dma_start3A_247, %dma_start3A_248] : memref<10000x128xf32, #tpu.memory_space<hbm>> -> memref<10000x128xf32, #tpu.memory_space<hbm>>
        tpu.enqueue_indirect_dma source(%dma_start3A_249 : memref<10000x128xf32, #tpu.memory_space<hbm>>) target(%arg8 : memref<125x128xf32, #tpu.memory_space<vmem>>) offsets(%dma_start3A_246 : memref<125xi32, #tpu.memory_space<vmem>>) semaphore(%arg11 : memref<!tpu.dma_semaphore, #tpu.memory_space<semaphore_mem>>)
      } else {
      }
      %dma_wait3A_163 = arith.constant 5 : i32
      %dma_wait3A_164 = arith.constant 0 : i32
      %dma_wait3A_165 = tpu.memref_slice %arg6[%scan3A_46, %dma_wait3A_163, %dma_wait3A_164] : memref<10x8x125xi32, #tpu.memory_space<vmem>> -> memref<1x1x125xi32, #tpu.memory_space<vmem>>
      %dma_wait3A_166 = tpu.memref_squeeze %dma_wait3A_165 : memref<1x1x125xi32, #tpu.memory_space<vmem>> -> memref<125xi32, #tpu.memory_space<vmem>>
      %dma_wait3A_167 = arith.constant 0 : i32
      %dma_wait3A_168 = arith.constant 0 : i32
      %dma_wait3A_169 = tpu.memref_slice %arg3[%dma_wait3A_167, %dma_wait3A_168] : memref<10000x128xf32, #tpu.memory_space<hbm>> -> memref<10000x128xf32, #tpu.memory_space<hbm>>
      tpu.wait_indirect_dma semaphore(%arg12 : memref<!tpu.dma_semaphore, #tpu.memory_space<semaphore_mem>>) src(%dma_wait3A_169 : memref<10000x128xf32, #tpu.memory_space<hbm>>) dst(%arg9 : memref<125x128xf32, #tpu.memory_space<vmem>>)
      %run_scoped3A_170 = arith.constant 5 : i32
      "tpu.region"() ({
        %run_scoped3A_220 = tpu.sem_alloc : memref<!tpu.dma_semaphore, #tpu.memory_space<semaphore_mem>>
        %dma_start3A_221 = arith.constant 0 : i32
        %dma_start3A_222 = tpu.memref_slice %arg7[%rem3A_47, %run_scoped3A_170, %dma_start3A_221] : memref<2x8x125xi32, #tpu.memory_space<vmem>> -> memref<1x1x125xi32, #tpu.memory_space<vmem>>
        %dma_start3A_223 = tpu.memref_squeeze %dma_start3A_222 : memref<1x1x125xi32, #tpu.memory_space<vmem>> -> memref<125xi32, #tpu.memory_space<vmem>>
        %dma_start3A_224 = arith.constant 0 : i32
        %dma_start3A_225 = arith.constant 0 : i32
        %dma_start3A_226 = tpu.memref_slice %arg13[%dma_start3A_224, %dma_start3A_225] : memref<10112x128xf32, #tpu.memory_space<vmem_shared>> -> memref<10112x128xf32, #tpu.memory_space<vmem_shared>>
        tpu.enqueue_indirect_dma source(%arg9 : memref<125x128xf32, #tpu.memory_space<vmem>>) target(%dma_start3A_226 : memref<10112x128xf32, #tpu.memory_space<vmem_shared>>) offsets(%dma_start3A_223 : memref<125xi32, #tpu.memory_space<vmem>>) semaphore(%run_scoped3A_220 : memref<!tpu.dma_semaphore, #tpu.memory_space<semaphore_mem>>) {add = true}
        %dma_wait3A_227 = arith.constant 0 : i32
        %dma_wait3A_228 = tpu.memref_slice %arg7[%rem3A_47, %run_scoped3A_170, %dma_wait3A_227] : memref<2x8x125xi32, #tpu.memory_space<vmem>> -> memref<1x1x125xi32, #tpu.memory_space<vmem>>
        %dma_wait3A_229 = tpu.memref_squeeze %dma_wait3A_228 : memref<1x1x125xi32, #tpu.memory_space<vmem>> -> memref<125xi32, #tpu.memory_space<vmem>>
        %dma_wait3A_230 = arith.constant 0 : i32
        %dma_wait3A_231 = arith.constant 0 : i32
        %dma_wait3A_232 = tpu.memref_slice %arg13[%dma_wait3A_230, %dma_wait3A_231] : memref<10112x128xf32, #tpu.memory_space<vmem_shared>> -> memref<10112x128xf32, #tpu.memory_space<vmem_shared>>
        tpu.wait_indirect_dma semaphore(%run_scoped3A_220 : memref<!tpu.dma_semaphore, #tpu.memory_space<semaphore_mem>>) src(%arg9 : memref<125x128xf32, #tpu.memory_space<vmem>>) dst(%dma_wait3A_232 : memref<10112x128xf32, #tpu.memory_space<vmem_shared>>)
        tpu.yield
      }) : () -> ()
      %mul3A_171 = arith.constant 8 : i32
      %mul3A_172 = arith.muli %scan3A_46, %mul3A_171 : i32
      %add3A_173 = arith.constant 5 : i32
      %add3A_174 = arith.addi %mul3A_172, %add3A_173 : i32
      %add3A_175 = arith.constant 2 : i32
      %add3A_176 = arith.addi %add3A_174, %add3A_175 : i32
      %lt3A_177 = arith.constant 80 : i32
      %lt3A_178 = arith.cmpi slt, %add3A_176, %lt3A_177 : i32
      %convert_element_type3A_179 = arith.extui %lt3A_178 : i1 to i32
      %cond3A_180 = arith.constant 0 : i32
      %cond3A_181 = arith.cmpi ne, %convert_element_type3A_179, %cond3A_180 : i32
      scf.if %cond3A_181 {
        %mul3A_220 = arith.constant 8 : i32
        %mul3A_221 = arith.muli %scan3A_46, %mul3A_220 : i32
        %add3A_222 = arith.constant 5 : i32
        %add3A_223 = arith.addi %mul3A_221, %add3A_222 : i32
        %add3A_224 = arith.constant 2 : i32
        %add3A_225 = arith.addi %add3A_223, %add3A_224 : i32
        %jit3A = arith.constant 8 : i32
        %div3A = arith.divsi %add3A_225, %jit3A : i32
        %sign3A = arith.constant 0 : i32
        %sign3A_226 = arith.cmpi sgt, %add3A_225, %sign3A : i32
        %sign3A_227 = arith.extui %sign3A_226 : i1 to i32
        %sign3A_228 = arith.constant 0 : i32
        %sign3A_229 = arith.cmpi slt, %add3A_225, %sign3A_228 : i32
        %sign3A_230 = arith.extui %sign3A_229 : i1 to i32
        %sign3A_231 = arith.subi %sign3A_227, %sign3A_230 : i32
        %sign3A_232 = arith.constant 0 : i32
        %sign3A_233 = arith.cmpi sgt, %jit3A, %sign3A_232 : i32
        %sign3A_234 = arith.extui %sign3A_233 : i1 to i32
        %sign3A_235 = arith.constant 0 : i32
        %sign3A_236 = arith.cmpi slt, %jit3A, %sign3A_235 : i32
        %sign3A_237 = arith.extui %sign3A_236 : i1 to i32
        %sign3A_238 = arith.subi %sign3A_234, %sign3A_237 : i32
        %ne3A = arith.cmpi ne, %sign3A_231, %sign3A_238 : i32
        %rem3A_239 = arith.remsi %add3A_225, %jit3A : i32
        %ne3A_240 = arith.constant 0 : i32
        %ne3A_241 = arith.cmpi ne, %rem3A_239, %ne3A_240 : i32
        %and3A = arith.andi %ne3A, %ne3A_241 : i1
        %sub3A = arith.constant 1 : i32
        %sub3A_242 = arith.subi %div3A, %sub3A : i32
        %select_n3A = arith.select %and3A, %sub3A_242, %div3A : i32
        %dma_start3A_243 = arith.constant 7 : i32
        %dma_start3A_244 = arith.constant 0 : i32
        %dma_start3A_245 = tpu.memref_slice %arg6[%select_n3A, %dma_start3A_243, %dma_start3A_244] : memref<10x8x125xi32, #tpu.memory_space<vmem>> -> memref<1x1x125xi32, #tpu.memory_space<vmem>>
        %dma_start3A_246 = tpu.memref_squeeze %dma_start3A_245 : memref<1x1x125xi32, #tpu.memory_space<vmem>> -> memref<125xi32, #tpu.memory_space<vmem>>
        %dma_start3A_247 = arith.constant 0 : i32
        %dma_start3A_248 = arith.constant 0 : i32
        %dma_start3A_249 = tpu.memref_slice %arg3[%dma_start3A_247, %dma_start3A_248] : memref<10000x128xf32, #tpu.memory_space<hbm>> -> memref<10000x128xf32, #tpu.memory_space<hbm>>
        tpu.enqueue_indirect_dma source(%dma_start3A_249 : memref<10000x128xf32, #tpu.memory_space<hbm>>) target(%arg9 : memref<125x128xf32, #tpu.memory_space<vmem>>) offsets(%dma_start3A_246 : memref<125xi32, #tpu.memory_space<vmem>>) semaphore(%arg12 : memref<!tpu.dma_semaphore, #tpu.memory_space<semaphore_mem>>)
      } else {
      }
      %dma_wait3A_182 = arith.constant 6 : i32
      %dma_wait3A_183 = arith.constant 0 : i32
      %dma_wait3A_184 = tpu.memref_slice %arg6[%scan3A_46, %dma_wait3A_182, %dma_wait3A_183] : memref<10x8x125xi32, #tpu.memory_space<vmem>> -> memref<1x1x125xi32, #tpu.memory_space<vmem>>
      %dma_wait3A_185 = tpu.memref_squeeze %dma_wait3A_184 : memref<1x1x125xi32, #tpu.memory_space<vmem>> -> memref<125xi32, #tpu.memory_space<vmem>>
      %dma_wait3A_186 = arith.constant 0 : i32
      %dma_wait3A_187 = arith.constant 0 : i32
      %dma_wait3A_188 = tpu.memref_slice %arg3[%dma_wait3A_186, %dma_wait3A_187] : memref<10000x128xf32, #tpu.memory_space<hbm>> -> memref<10000x128xf32, #tpu.memory_space<hbm>>
      tpu.wait_indirect_dma semaphore(%arg11 : memref<!tpu.dma_semaphore, #tpu.memory_space<semaphore_mem>>) src(%dma_wait3A_188 : memref<10000x128xf32, #tpu.memory_space<hbm>>) dst(%arg8 : memref<125x128xf32, #tpu.memory_space<vmem>>)
      %run_scoped3A_189 = arith.constant 6 : i32
      "tpu.region"() ({
        %run_scoped3A_220 = tpu.sem_alloc : memref<!tpu.dma_semaphore, #tpu.memory_space<semaphore_mem>>
        %dma_start3A_221 = arith.constant 0 : i32
        %dma_start3A_222 = tpu.memref_slice %arg7[%rem3A_47, %run_scoped3A_189, %dma_start3A_221] : memref<2x8x125xi32, #tpu.memory_space<vmem>> -> memref<1x1x125xi32, #tpu.memory_space<vmem>>
        %dma_start3A_223 = tpu.memref_squeeze %dma_start3A_222 : memref<1x1x125xi32, #tpu.memory_space<vmem>> -> memref<125xi32, #tpu.memory_space<vmem>>
        %dma_start3A_224 = arith.constant 0 : i32
        %dma_start3A_225 = arith.constant 0 : i32
        %dma_start3A_226 = tpu.memref_slice %arg13[%dma_start3A_224, %dma_start3A_225] : memref<10112x128xf32, #tpu.memory_space<vmem_shared>> -> memref<10112x128xf32, #tpu.memory_space<vmem_shared>>
        tpu.enqueue_indirect_dma source(%arg8 : memref<125x128xf32, #tpu.memory_space<vmem>>) target(%dma_start3A_226 : memref<10112x128xf32, #tpu.memory_space<vmem_shared>>) offsets(%dma_start3A_223 : memref<125xi32, #tpu.memory_space<vmem>>) semaphore(%run_scoped3A_220 : memref<!tpu.dma_semaphore, #tpu.memory_space<semaphore_mem>>) {add = true}
        %dma_wait3A_227 = arith.constant 0 : i32
        %dma_wait3A_228 = tpu.memref_slice %arg7[%rem3A_47, %run_scoped3A_189, %dma_wait3A_227] : memref<2x8x125xi32, #tpu.memory_space<vmem>> -> memref<1x1x125xi32, #tpu.memory_space<vmem>>
        %dma_wait3A_229 = tpu.memref_squeeze %dma_wait3A_228 : memref<1x1x125xi32, #tpu.memory_space<vmem>> -> memref<125xi32, #tpu.memory_space<vmem>>
        %dma_wait3A_230 = arith.constant 0 : i32
        %dma_wait3A_231 = arith.constant 0 : i32
        %dma_wait3A_232 = tpu.memref_slice %arg13[%dma_wait3A_230, %dma_wait3A_231] : memref<10112x128xf32, #tpu.memory_space<vmem_shared>> -> memref<10112x128xf32, #tpu.memory_space<vmem_shared>>
        tpu.wait_indirect_dma semaphore(%run_scoped3A_220 : memref<!tpu.dma_semaphore, #tpu.memory_space<semaphore_mem>>) src(%arg8 : memref<125x128xf32, #tpu.memory_space<vmem>>) dst(%dma_wait3A_232 : memref<10112x128xf32, #tpu.memory_space<vmem_shared>>)
        tpu.yield
      }) : () -> ()
      %mul3A_190 = arith.constant 8 : i32
      %mul3A_191 = arith.muli %scan3A_46, %mul3A_190 : i32
      %add3A_192 = arith.constant 6 : i32
      %add3A_193 = arith.addi %mul3A_191, %add3A_192 : i32
      %add3A_194 = arith.constant 2 : i32
      %add3A_195 = arith.addi %add3A_193, %add3A_194 : i32
      %lt3A_196 = arith.constant 80 : i32
      %lt3A_197 = arith.cmpi slt, %add3A_195, %lt3A_196 : i32
      %convert_element_type3A_198 = arith.extui %lt3A_197 : i1 to i32
      %cond3A_199 = arith.constant 0 : i32
      %cond3A_200 = arith.cmpi ne, %convert_element_type3A_198, %cond3A_199 : i32
      scf.if %cond3A_200 {
        %mul3A_220 = arith.constant 8 : i32
        %mul3A_221 = arith.muli %scan3A_46, %mul3A_220 : i32
        %add3A_222 = arith.constant 6 : i32
        %add3A_223 = arith.addi %mul3A_221, %add3A_222 : i32
        %add3A_224 = arith.constant 2 : i32
        %add3A_225 = arith.addi %add3A_223, %add3A_224 : i32
        %jit3A = arith.constant 8 : i32
        %div3A = arith.divsi %add3A_225, %jit3A : i32
        %sign3A = arith.constant 0 : i32
        %sign3A_226 = arith.cmpi sgt, %add3A_225, %sign3A : i32
        %sign3A_227 = arith.extui %sign3A_226 : i1 to i32
        %sign3A_228 = arith.constant 0 : i32
        %sign3A_229 = arith.cmpi slt, %add3A_225, %sign3A_228 : i32
        %sign3A_230 = arith.extui %sign3A_229 : i1 to i32
        %sign3A_231 = arith.subi %sign3A_227, %sign3A_230 : i32
        %sign3A_232 = arith.constant 0 : i32
        %sign3A_233 = arith.cmpi sgt, %jit3A, %sign3A_232 : i32
        %sign3A_234 = arith.extui %sign3A_233 : i1 to i32
        %sign3A_235 = arith.constant 0 : i32
        %sign3A_236 = arith.cmpi slt, %jit3A, %sign3A_235 : i32
        %sign3A_237 = arith.extui %sign3A_236 : i1 to i32
        %sign3A_238 = arith.subi %sign3A_234, %sign3A_237 : i32
        %ne3A = arith.cmpi ne, %sign3A_231, %sign3A_238 : i32
        %rem3A_239 = arith.remsi %add3A_225, %jit3A : i32
        %ne3A_240 = arith.constant 0 : i32
        %ne3A_241 = arith.cmpi ne, %rem3A_239, %ne3A_240 : i32
        %and3A = arith.andi %ne3A, %ne3A_241 : i1
        %sub3A = arith.constant 1 : i32
        %sub3A_242 = arith.subi %div3A, %sub3A : i32
        %select_n3A = arith.select %and3A, %sub3A_242, %div3A : i32
        %dma_start3A_243 = arith.constant 0 : i32
        %dma_start3A_244 = arith.constant 0 : i32
        %dma_start3A_245 = tpu.memref_slice %arg6[%select_n3A, %dma_start3A_243, %dma_start3A_244] : memref<10x8x125xi32, #tpu.memory_space<vmem>> -> memref<1x1x125xi32, #tpu.memory_space<vmem>>
        %dma_start3A_246 = tpu.memref_squeeze %dma_start3A_245 : memref<1x1x125xi32, #tpu.memory_space<vmem>> -> memref<125xi32, #tpu.memory_space<vmem>>
        %dma_start3A_247 = arith.constant 0 : i32
        %dma_start3A_248 = arith.constant 0 : i32
        %dma_start3A_249 = tpu.memref_slice %arg3[%dma_start3A_247, %dma_start3A_248] : memref<10000x128xf32, #tpu.memory_space<hbm>> -> memref<10000x128xf32, #tpu.memory_space<hbm>>
        tpu.enqueue_indirect_dma source(%dma_start3A_249 : memref<10000x128xf32, #tpu.memory_space<hbm>>) target(%arg8 : memref<125x128xf32, #tpu.memory_space<vmem>>) offsets(%dma_start3A_246 : memref<125xi32, #tpu.memory_space<vmem>>) semaphore(%arg11 : memref<!tpu.dma_semaphore, #tpu.memory_space<semaphore_mem>>)
      } else {
      }
      %dma_wait3A_201 = arith.constant 7 : i32
      %dma_wait3A_202 = arith.constant 0 : i32
      %dma_wait3A_203 = tpu.memref_slice %arg6[%scan3A_46, %dma_wait3A_201, %dma_wait3A_202] : memref<10x8x125xi32, #tpu.memory_space<vmem>> -> memref<1x1x125xi32, #tpu.memory_space<vmem>>
      %dma_wait3A_204 = tpu.memref_squeeze %dma_wait3A_203 : memref<1x1x125xi32, #tpu.memory_space<vmem>> -> memref<125xi32, #tpu.memory_space<vmem>>
      %dma_wait3A_205 = arith.constant 0 : i32
      %dma_wait3A_206 = arith.constant 0 : i32
      %dma_wait3A_207 = tpu.memref_slice %arg3[%dma_wait3A_205, %dma_wait3A_206] : memref<10000x128xf32, #tpu.memory_space<hbm>> -> memref<10000x128xf32, #tpu.memory_space<hbm>>
      tpu.wait_indirect_dma semaphore(%arg12 : memref<!tpu.dma_semaphore, #tpu.memory_space<semaphore_mem>>) src(%dma_wait3A_207 : memref<10000x128xf32, #tpu.memory_space<hbm>>) dst(%arg9 : memref<125x128xf32, #tpu.memory_space<vmem>>)
      %run_scoped3A_208 = arith.constant 7 : i32
      "tpu.region"() ({
        %run_scoped3A_220 = tpu.sem_alloc : memref<!tpu.dma_semaphore, #tpu.memory_space<semaphore_mem>>
        %dma_start3A_221 = arith.constant 0 : i32
        %dma_start3A_222 = tpu.memref_slice %arg7[%rem3A_47, %run_scoped3A_208, %dma_start3A_221] : memref<2x8x125xi32, #tpu.memory_space<vmem>> -> memref<1x1x125xi32, #tpu.memory_space<vmem>>
        %dma_start3A_223 = tpu.memref_squeeze %dma_start3A_222 : memref<1x1x125xi32, #tpu.memory_space<vmem>> -> memref<125xi32, #tpu.memory_space<vmem>>
        %dma_start3A_224 = arith.constant 0 : i32
        %dma_start3A_225 = arith.constant 0 : i32
        %dma_start3A_226 = tpu.memref_slice %arg13[%dma_start3A_224, %dma_start3A_225] : memref<10112x128xf32, #tpu.memory_space<vmem_shared>> -> memref<10112x128xf32, #tpu.memory_space<vmem_shared>>
        tpu.enqueue_indirect_dma source(%arg9 : memref<125x128xf32, #tpu.memory_space<vmem>>) target(%dma_start3A_226 : memref<10112x128xf32, #tpu.memory_space<vmem_shared>>) offsets(%dma_start3A_223 : memref<125xi32, #tpu.memory_space<vmem>>) semaphore(%run_scoped3A_220 : memref<!tpu.dma_semaphore, #tpu.memory_space<semaphore_mem>>) {add = true}
        %dma_wait3A_227 = arith.constant 0 : i32
        %dma_wait3A_228 = tpu.memref_slice %arg7[%rem3A_47, %run_scoped3A_208, %dma_wait3A_227] : memref<2x8x125xi32, #tpu.memory_space<vmem>> -> memref<1x1x125xi32, #tpu.memory_space<vmem>>
        %dma_wait3A_229 = tpu.memref_squeeze %dma_wait3A_228 : memref<1x1x125xi32, #tpu.memory_space<vmem>> -> memref<125xi32, #tpu.memory_space<vmem>>
        %dma_wait3A_230 = arith.constant 0 : i32
        %dma_wait3A_231 = arith.constant 0 : i32
        %dma_wait3A_232 = tpu.memref_slice %arg13[%dma_wait3A_230, %dma_wait3A_231] : memref<10112x128xf32, #tpu.memory_space<vmem_shared>> -> memref<10112x128xf32, #tpu.memory_space<vmem_shared>>
        tpu.wait_indirect_dma semaphore(%run_scoped3A_220 : memref<!tpu.dma_semaphore, #tpu.memory_space<semaphore_mem>>) src(%arg9 : memref<125x128xf32, #tpu.memory_space<vmem>>) dst(%dma_wait3A_232 : memref<10112x128xf32, #tpu.memory_space<vmem_shared>>)
        tpu.yield
      }) : () -> ()
      %mul3A_209 = arith.constant 8 : i32
      %mul3A_210 = arith.muli %scan3A_46, %mul3A_209 : i32
      %add3A_211 = arith.constant 7 : i32
      %add3A_212 = arith.addi %mul3A_210, %add3A_211 : i32
      %add3A_213 = arith.constant 2 : i32
      %add3A_214 = arith.addi %add3A_212, %add3A_213 : i32
      %lt3A_215 = arith.constant 80 : i32
      %lt3A_216 = arith.cmpi slt, %add3A_214, %lt3A_215 : i32
      %convert_element_type3A_217 = arith.extui %lt3A_216 : i1 to i32
      %cond3A_218 = arith.constant 0 : i32
      %cond3A_219 = arith.cmpi ne, %convert_element_type3A_217, %cond3A_218 : i32
      scf.if %cond3A_219 {
        %mul3A_220 = arith.constant 8 : i32
        %mul3A_221 = arith.muli %scan3A_46, %mul3A_220 : i32
        %add3A_222 = arith.constant 7 : i32
        %add3A_223 = arith.addi %mul3A_221, %add3A_222 : i32
        %add3A_224 = arith.constant 2 : i32
        %add3A_225 = arith.addi %add3A_223, %add3A_224 : i32
        %jit3A = arith.constant 8 : i32
        %div3A = arith.divsi %add3A_225, %jit3A : i32
        %sign3A = arith.constant 0 : i32
        %sign3A_226 = arith.cmpi sgt, %add3A_225, %sign3A : i32
        %sign3A_227 = arith.extui %sign3A_226 : i1 to i32
        %sign3A_228 = arith.constant 0 : i32
        %sign3A_229 = arith.cmpi slt, %add3A_225, %sign3A_228 : i32
        %sign3A_230 = arith.extui %sign3A_229 : i1 to i32
        %sign3A_231 = arith.subi %sign3A_227, %sign3A_230 : i32
        %sign3A_232 = arith.constant 0 : i32
        %sign3A_233 = arith.cmpi sgt, %jit3A, %sign3A_232 : i32
        %sign3A_234 = arith.extui %sign3A_233 : i1 to i32
        %sign3A_235 = arith.constant 0 : i32
        %sign3A_236 = arith.cmpi slt, %jit3A, %sign3A_235 : i32
        %sign3A_237 = arith.extui %sign3A_236 : i1 to i32
        %sign3A_238 = arith.subi %sign3A_234, %sign3A_237 : i32
        %ne3A = arith.cmpi ne, %sign3A_231, %sign3A_238 : i32
        %rem3A_239 = arith.remsi %add3A_225, %jit3A : i32
        %ne3A_240 = arith.constant 0 : i32
        %ne3A_241 = arith.cmpi ne, %rem3A_239, %ne3A_240 : i32
        %and3A = arith.andi %ne3A, %ne3A_241 : i1
        %sub3A = arith.constant 1 : i32
        %sub3A_242 = arith.subi %div3A, %sub3A : i32
        %select_n3A = arith.select %and3A, %sub3A_242, %div3A : i32
        %dma_start3A_243 = arith.constant 1 : i32
        %dma_start3A_244 = arith.constant 0 : i32
        %dma_start3A_245 = tpu.memref_slice %arg6[%select_n3A, %dma_start3A_243, %dma_start3A_244] : memref<10x8x125xi32, #tpu.memory_space<vmem>> -> memref<1x1x125xi32, #tpu.memory_space<vmem>>
        %dma_start3A_246 = tpu.memref_squeeze %dma_start3A_245 : memref<1x1x125xi32, #tpu.memory_space<vmem>> -> memref<125xi32, #tpu.memory_space<vmem>>
        %dma_start3A_247 = arith.constant 0 : i32
        %dma_start3A_248 = arith.constant 0 : i32
        %dma_start3A_249 = tpu.memref_slice %arg3[%dma_start3A_247, %dma_start3A_248] : memref<10000x128xf32, #tpu.memory_space<hbm>> -> memref<10000x128xf32, #tpu.memory_space<hbm>>
        tpu.enqueue_indirect_dma source(%dma_start3A_249 : memref<10000x128xf32, #tpu.memory_space<hbm>>) target(%arg9 : memref<125x128xf32, #tpu.memory_space<vmem>>) offsets(%dma_start3A_246 : memref<125xi32, #tpu.memory_space<vmem>>) semaphore(%arg12 : memref<!tpu.dma_semaphore, #tpu.memory_space<semaphore_mem>>)
      } else {
      }
    }
    %scan3A_40 = arith.constant 10 : i32
    %barrier3A_41 = arith.constant 0 : index
    tpu.barrier barrier_id(%barrier3A_41)
    %mul3A_42 = arith.constant 632 : i32
    %mul3A_43 = arith.muli %arg1, %mul3A_42 : i32
    %mul3A_44 = arith.constant 632 : i32
    %mul3A_45 = arith.muli %arg1, %mul3A_44 : i32
    "tpu.region"() ({
      %run_scoped3A_46 = tpu.sem_alloc : memref<!tpu.dma_semaphore, #tpu.memory_space<semaphore_mem>>
      %dma_start3A_47 = arith.constant 0 : i32
      %dma_start3A_48 = tpu.memref_slice %arg5[%arg0, %mul3A_45, %dma_start3A_47] : memref<2x10112x128xf32, #tpu.memory_space<hbm>> -> memref<1x632x128xf32, #tpu.memory_space<hbm>>
      %dma_start3A_49 = tpu.memref_squeeze %dma_start3A_48 : memref<1x632x128xf32, #tpu.memory_space<hbm>> -> memref<632x128xf32, #tpu.memory_space<hbm>>
      %dma_start3A_50 = arith.constant 0 : i32
      %dma_start3A_51 = tpu.memref_slice %arg13[%mul3A_43, %dma_start3A_50] : memref<10112x128xf32, #tpu.memory_space<vmem_shared>> -> memref<632x128xf32, #tpu.memory_space<vmem_shared>>
      tpu.enqueue_dma source(%dma_start3A_51 : memref<632x128xf32, #tpu.memory_space<vmem_shared>>) target(%dma_start3A_49 : memref<632x128xf32, #tpu.memory_space<hbm>>) target_semaphore(%run_scoped3A_46 : memref<!tpu.dma_semaphore, #tpu.memory_space<semaphore_mem>>)
      %dma_wait3A = arith.constant 0 : i32
      %dma_wait3A_52 = tpu.memref_slice %arg5[%arg0, %mul3A_45, %dma_wait3A] : memref<2x10112x128xf32, #tpu.memory_space<hbm>> -> memref<1x632x128xf32, #tpu.memory_space<hbm>>
      %dma_wait3A_53 = tpu.memref_squeeze %dma_wait3A_52 : memref<1x632x128xf32, #tpu.memory_space<hbm>> -> memref<632x128xf32, #tpu.memory_space<hbm>>
      %dma_wait3A_54 = arith.constant 0 : i32
      %dma_wait3A_55 = tpu.memref_slice %arg13[%mul3A_43, %dma_wait3A_54] : memref<10112x128xf32, #tpu.memory_space<vmem_shared>> -> memref<632x128xf32, #tpu.memory_space<vmem_shared>>
      tpu.wait_dma2 semaphore(%run_scoped3A_46 : memref<!tpu.dma_semaphore, #tpu.memory_space<semaphore_mem>>) src(%dma_wait3A_55 : memref<632x128xf32, #tpu.memory_space<vmem_shared>>) dst(%dma_wait3A_53 : memref<632x128xf32, #tpu.memory_space<hbm>>)
      tpu.yield
    }) : () -> ()
    return
  }
}

module attributes {stable_mosaic.version = 14 : i64} {
  func.func @_tc_scale_body(%arg0: memref<10000x128xf32, #tpu.memory_space<vmem>>, %arg1: memref<10000x1xf32, #tpu.memory_space<vmem>>, %arg2: memref<10000x128xf32, #tpu.memory_space<vmem>>) attributes {dimension_semantics = [], scalar_prefetch = 0 : i64, scratch_operands = 0 : i64, tpu.core_type = #tpu.core_type<tc>} {
    %get3A = arith.constant 0 : index
    %get3A_0 = arith.constant 0 : index
    %get3A_1 = vector.load %arg0[%get3A, %get3A_0] : memref<10000x128xf32, #tpu.memory_space<vmem>>, vector<10000x128xf32>
    %get3A_2 = arith.constant 0 : index
    %get3A_3 = arith.constant 0 : index
    %get3A_4 = vector.load %arg1[%get3A_2, %get3A_3] : memref<10000x1xf32, #tpu.memory_space<vmem>>, vector<10000x1xf32>
    %mul3A = vector.broadcast %get3A_4 : vector<10000x1xf32> to vector<10000x128xf32>
    %mul3A_5 = arith.mulf %get3A_1, %mul3A : vector<10000x128xf32>
    %swap3A = arith.constant 0 : index
    %swap3A_6 = arith.constant 0 : index
    %swap3A_7 = vector.load %arg2[%swap3A, %swap3A_6] : memref<10000x128xf32, #tpu.memory_space<vmem>>, vector<10000x128xf32>
    tpu.vector_store %arg2[%swap3A, %swap3A_6], %mul3A_5 {strides = array<i32>} : memref<10000x128xf32, #tpu.memory_space<vmem>>, vector<10000x128xf32>,
    return
  }
}

module attributes {stable_mosaic.version = 14 : i64} {
  func.func @_tc_encode_body(%arg0: i32, %arg1: memref<2000x128xf32, #tpu.memory_space<vmem>>, %arg2: memref<2x2000x128xf32, #tpu.memory_space<vmem>>, %arg3: memref<2000x1xf32, #tpu.memory_space<vmem>>, %arg4: memref<128x1024xbf16, #tpu.memory_space<vmem>>, %arg5: memref<128x1024xbf16, #tpu.memory_space<vmem>>, %arg6: memref<1x1024xf32, #tpu.memory_space<vmem>>, %arg7: memref<1024x128xbf16, #tpu.memory_space<vmem>>, %arg8: memref<2000x128xf32, #tpu.memory_space<vmem>>) attributes {dimension_semantics = [#tpu.dimension_semantics<arbitrary>], iteration_bounds = array<i64: 5>, scalar_prefetch = 0 : i64, scratch_operands = 0 : i64, tpu.core_type = #tpu.core_type<tc>, window_params = [{transform_indices = @transform_0, window_bounds = array<i64: 2000, 128>}, {transform_indices = @transform_1, window_bounds = array<i64: 2, 2000, 128>}, {transform_indices = @transform_2, window_bounds = array<i64: 2000, 1>}, {pipeline_mode = #tpu.pipeline_mode<synchronous>, transform_indices = @transform_3, window_bounds = array<i64: 128, 1024>}, {pipeline_mode = #tpu.pipeline_mode<synchronous>, transform_indices = @transform_4, window_bounds = array<i64: 128, 1024>}, {pipeline_mode = #tpu.pipeline_mode<synchronous>, transform_indices = @transform_5, window_bounds = array<i64: 1, 1024>}, {pipeline_mode = #tpu.pipeline_mode<synchronous>, transform_indices = @transform_6, window_bounds = array<i64: 1024, 128>}, {transform_indices = @transform_7, window_bounds = array<i64: 2000, 128>}]} {
    %get3A = arith.constant 0 : index
    %get3A_0 = arith.constant 0 : index
    %get3A_1 = vector.load %arg3[%get3A, %get3A_0] : memref<2000x1xf32, #tpu.memory_space<vmem>>, vector<2000x1xf32>
    %get3A_2 = arith.constant 0 : index
    %get3A_3 = arith.constant 0 : index
    %get3A_4 = arith.constant 0 : index
    %get3A_5 = vector.load %arg2[%get3A_2, %get3A_3, %get3A_4] : memref<2x2000x128xf32, #tpu.memory_space<vmem>>, vector<1x2000x128xf32>
    %get3A_6 = vector.shape_cast %get3A_5 : vector<1x2000x128xf32> to vector<2000x128xf32>
    %get3A_7 = arith.constant 1 : index
    %get3A_8 = arith.constant 0 : index
    %get3A_9 = arith.constant 0 : index
    %get3A_10 = vector.load %arg2[%get3A_7, %get3A_8, %get3A_9] : memref<2x2000x128xf32, #tpu.memory_space<vmem>>, vector<1x2000x128xf32>
    %get3A_11 = vector.shape_cast %get3A_10 : vector<1x2000x128xf32> to vector<2000x128xf32>
    %add3A = arith.addf %get3A_6, %get3A_11 : vector<2000x128xf32>
    %mul3A = vector.broadcast %get3A_1 : vector<2000x1xf32> to vector<2000x128xf32>
    %mul3A_12 = arith.mulf %add3A, %mul3A : vector<2000x128xf32>
    %convert_element_type3A = arith.truncf %mul3A_12 : vector<2000x128xf32> to vector<2000x128xbf16>
    %get3A_13 = arith.constant 0 : index
    %get3A_14 = arith.constant 0 : index
    %get3A_15 = vector.load %arg1[%get3A_13, %get3A_14] : memref<2000x128xf32, #tpu.memory_space<vmem>>, vector<2000x128xf32>
    %convert_element_type3A_16 = arith.truncf %get3A_15 : vector<2000x128xf32> to vector<2000x128xbf16>
    %get3A_17 = arith.constant 0 : index
    %get3A_18 = arith.constant 0 : index
    %get3A_19 = vector.load %arg4[%get3A_17, %get3A_18] : memref<128x1024xbf16, #tpu.memory_space<vmem>>, vector<128x1024xbf16>
    %dot_general3A = arith.constant dense<0.000000e+00> : vector<2000x1024xf32>
    %dot_general3A_20 = tpu.matmul %convert_element_type3A_16, %get3A_19, %dot_general3A {dimension_numbers = #tpu.dot_dimension_numbers<[1], [0], [0], [1], [0, 0, 1, 1], [], []>, transpose_lhs_hint = false} : vector<2000x128xbf16>, vector<128x1024xbf16>, vector<2000x1024xf32> -> vector<2000x1024xf32>
    %get3A_21 = arith.constant 0 : index
    %get3A_22 = arith.constant 0 : index
    %get3A_23 = vector.load %arg5[%get3A_21, %get3A_22] : memref<128x1024xbf16, #tpu.memory_space<vmem>>, vector<128x1024xbf16>
    %dot_general3A_24 = arith.constant dense<0.000000e+00> : vector<2000x1024xf32>
    %dot_general3A_25 = tpu.matmul %convert_element_type3A, %get3A_23, %dot_general3A_24 {dimension_numbers = #tpu.dot_dimension_numbers<[1], [0], [0], [1], [0, 0, 1, 1], [], []>, transpose_lhs_hint = false} : vector<2000x128xbf16>, vector<128x1024xbf16>, vector<2000x1024xf32> -> vector<2000x1024xf32>
    %add3A_26 = arith.addf %dot_general3A_20, %dot_general3A_25 : vector<2000x1024xf32>
    %get3A_27 = arith.constant 0 : index
    %get3A_28 = arith.constant 0 : index
    %get3A_29 = vector.load %arg6[%get3A_27, %get3A_28] : memref<1x1024xf32, #tpu.memory_space<vmem>>, vector<1x1024xf32>
    %add3A_30 = vector.broadcast %get3A_29 : vector<1x1024xf32> to vector<2000x1024xf32>
    %add3A_31 = arith.addf %add3A_26, %add3A_30 : vector<2000x1024xf32>
    %max3A = arith.constant 0.000000e+00 : f32
    %max3A_32 = vector.broadcast %max3A : f32 to vector<2000x1024xf32>
    %max3A_33 = arith.maximumf %add3A_31, %max3A_32 : vector<2000x1024xf32>
    %convert_element_type3A_34 = arith.truncf %max3A_33 : vector<2000x1024xf32> to vector<2000x1024xbf16>
    %get3A_35 = arith.constant 0 : index
    %get3A_36 = arith.constant 0 : index
    %get3A_37 = vector.load %arg7[%get3A_35, %get3A_36] : memref<1024x128xbf16, #tpu.memory_space<vmem>>, vector<1024x128xbf16>
    %dot_general3A_38 = arith.constant dense<0.000000e+00> : vector<2000x128xf32>
    %dot_general3A_39 = tpu.matmul %convert_element_type3A_34, %get3A_37, %dot_general3A_38 {dimension_numbers = #tpu.dot_dimension_numbers<[1], [0], [0], [1], [0, 0, 1, 1], [], []>, transpose_lhs_hint = false} : vector<2000x1024xbf16>, vector<1024x128xbf16>, vector<2000x128xf32> -> vector<2000x128xf32>
    %mul3A_40 = vector.broadcast %get3A_1 : vector<2000x1xf32> to vector<2000x128xf32>
    %mul3A_41 = arith.mulf %dot_general3A_39, %mul3A_40 : vector<2000x128xf32>
    %swap3A = arith.constant 0 : index
    %swap3A_42 = arith.constant 0 : index
    %swap3A_43 = vector.load %arg8[%swap3A, %swap3A_42] : memref<2000x128xf32, #tpu.memory_space<vmem>>, vector<2000x128xf32>
    tpu.vector_store %arg8[%swap3A, %swap3A_42], %mul3A_41 {strides = array<i32>} : memref<2000x128xf32, #tpu.memory_space<vmem>>, vector<2000x128xf32>,
    return
  }
  func.func @transform_0(%arg0: i32) -> (i32, i32) {
    %c0_i32 = arith.constant 0 : i32
    %c0_i32_0 = arith.constant 0 : i32
    return %arg0, %c0_i32 : i32, i32
  }
  func.func @transform_1(%arg0: i32) -> (i32, i32, i32) {
    %c0_i32 = arith.constant 0 : i32
    %c0_i32_0 = arith.constant 0 : i32
    %c0_i32_1 = arith.constant 0 : i32
    return %c0_i32, %arg0, %c0_i32_0 : i32, i32, i32
  }
  func.func @transform_2(%arg0: i32) -> (i32, i32) {
    %c0_i32 = arith.constant 0 : i32
    %c0_i32_0 = arith.constant 0 : i32
    return %arg0, %c0_i32 : i32, i32
  }
  func.func @transform_3(%arg0: i32) -> (i32, i32) {
    %c0_i32 = arith.constant 0 : i32
    %c0_i32_0 = arith.constant 0 : i32
    %c0_i32_1 = arith.constant 0 : i32
    return %c0_i32, %c0_i32_0 : i32, i32
  }
  func.func @transform_4(%arg0: i32) -> (i32, i32) {
    %c0_i32 = arith.constant 0 : i32
    %c0_i32_0 = arith.constant 0 : i32
    %c0_i32_1 = arith.constant 0 : i32
    return %c0_i32, %c0_i32_0 : i32, i32
  }
  func.func @transform_5(%arg0: i32) -> (i32, i32) {
    %c0_i32 = arith.constant 0 : i32
    %c0_i32_0 = arith.constant 0 : i32
    %c0_i32_1 = arith.constant 0 : i32
    return %c0_i32, %c0_i32_0 : i32, i32
  }
  func.func @transform_6(%arg0: i32) -> (i32, i32) {
    %c0_i32 = arith.constant 0 : i32
    %c0_i32_0 = arith.constant 0 : i32
    %c0_i32_1 = arith.constant 0 : i32
    return %c0_i32, %c0_i32_0 : i32, i32
  }
  func.func @transform_7(%arg0: i32) -> (i32, i32) {
    %c0_i32 = arith.constant 0 : i32
    %c0_i32_0 = arith.constant 0 : i32
    return %arg0, %c0_i32 : i32, i32
  }
}

module attributes {stable_mosaic.version = 14 : i64} {
  func.func @_tc_predict_body(%arg0: i32, %arg1: memref<2x10000x128xf32, #tpu.memory_space<vmem>>, %arg2: memref<10000x1xf32, #tpu.memory_space<vmem>>, %arg3: memref<200x128xf32, #tpu.memory_space<vmem>>, %arg4: memref<200x1xf32, #tpu.memory_space<vmem>>, %arg5: memref<200x10000xf32, #tpu.memory_space<vmem>>) attributes {dimension_semantics = [#tpu.dimension_semantics<arbitrary>], iteration_bounds = array<i64: 5>, scalar_prefetch = 0 : i64, scratch_operands = 0 : i64, tpu.core_type = #tpu.core_type<tc>, window_params = [{transform_indices = @transform_0, window_bounds = array<i64: 2, 10000, 128>}, {pipeline_mode = #tpu.pipeline_mode<synchronous>, transform_indices = @transform_1, window_bounds = array<i64: 10000, 1>}, {transform_indices = @transform_2, window_bounds = array<i64: 200, 128>}, {transform_indices = @transform_3, window_bounds = array<i64: 200, 1>}, {transform_indices = @transform_4, window_bounds = array<i64: 200, 10000>}]} {
    %get3A = arith.constant 0 : index
    %get3A_0 = arith.constant 0 : index
    %get3A_1 = arith.constant 0 : index
    %get3A_2 = vector.load %arg1[%get3A, %get3A_0, %get3A_1] : memref<2x10000x128xf32, #tpu.memory_space<vmem>>, vector<1x10000x128xf32>
    %get3A_3 = vector.shape_cast %get3A_2 : vector<1x10000x128xf32> to vector<10000x128xf32>
    %get3A_4 = arith.constant 1 : index
    %get3A_5 = arith.constant 0 : index
    %get3A_6 = arith.constant 0 : index
    %get3A_7 = vector.load %arg1[%get3A_4, %get3A_5, %get3A_6] : memref<2x10000x128xf32, #tpu.memory_space<vmem>>, vector<1x10000x128xf32>
    %get3A_8 = vector.shape_cast %get3A_7 : vector<1x10000x128xf32> to vector<10000x128xf32>
    %add3A = arith.addf %get3A_3, %get3A_8 : vector<10000x128xf32>
    %get3A_9 = arith.constant 0 : index
    %get3A_10 = arith.constant 0 : index
    %get3A_11 = vector.load %arg2[%get3A_9, %get3A_10] : memref<10000x1xf32, #tpu.memory_space<vmem>>, vector<10000x1xf32>
    %mul3A = vector.broadcast %get3A_11 : vector<10000x1xf32> to vector<10000x128xf32>
    %mul3A_12 = arith.mulf %add3A, %mul3A : vector<10000x128xf32>
    %get3A_13 = arith.constant 0 : index
    %get3A_14 = arith.constant 0 : index
    %get3A_15 = vector.load %arg3[%get3A_13, %get3A_14] : memref<200x128xf32, #tpu.memory_space<vmem>>, vector<200x128xf32>
    %dot_general3A = arith.constant dense<0.000000e+00> : vector<200x10000xf32>
    %dot_general3A_16 = tpu.matmul %get3A_15, %mul3A_12, %dot_general3A {dimension_numbers = #tpu.dot_dimension_numbers<[1], [1], [0], [0], [0, 0, 1, 0], [], []>, transpose_lhs_hint = false} : vector<200x128xf32>, vector<10000x128xf32>, vector<200x10000xf32> -> vector<200x10000xf32>
    %get3A_17 = arith.constant 0 : index
    %get3A_18 = arith.constant 0 : index
    %get3A_19 = vector.load %arg4[%get3A_17, %get3A_18] : memref<200x1xf32, #tpu.memory_space<vmem>>, vector<200x1xf32>
    %add3A_20 = vector.broadcast %get3A_19 : vector<200x1xf32> to vector<200x10000xf32>
    %add3A_21 = arith.addf %dot_general3A_16, %add3A_20 : vector<200x10000xf32>
    %tanh3A = math.tanh %add3A_21 : vector<200x10000xf32>
    %swap3A = arith.constant 0 : index
    %swap3A_22 = arith.constant 0 : index
    %swap3A_23 = vector.load %arg5[%swap3A, %swap3A_22] : memref<200x10000xf32, #tpu.memory_space<vmem>>, vector<200x10000xf32>
    tpu.vector_store %arg5[%swap3A, %swap3A_22], %tanh3A {strides = array<i32>} : memref<200x10000xf32, #tpu.memory_space<vmem>>, vector<200x10000xf32>,
    return
  }
  func.func @transform_0(%arg0: i32) -> (i32, i32, i32) {
    %c0_i32 = arith.constant 0 : i32
    %c0_i32_0 = arith.constant 0 : i32
    %c0_i32_1 = arith.constant 0 : i32
    %c0_i32_2 = arith.constant 0 : i32
    return %c0_i32, %c0_i32_0, %c0_i32_1 : i32, i32, i32
  }
  func.func @transform_1(%arg0: i32) -> (i32, i32) {
    %c0_i32 = arith.constant 0 : i32
    %c0_i32_0 = arith.constant 0 : i32
    %c0_i32_1 = arith.constant 0 : i32
    return %c0_i32, %c0_i32_0 : i32, i32
  }
  func.func @transform_2(%arg0: i32) -> (i32, i32) {
    %c0_i32 = arith.constant 0 : i32
    %c0_i32_0 = arith.constant 0 : i32
    return %arg0, %c0_i32 : i32, i32
  }
  func.func @transform_3(%arg0: i32) -> (i32, i32) {
    %c0_i32 = arith.constant 0 : i32
    %c0_i32_0 = arith.constant 0 : i32
    return %arg0, %c0_i32 : i32, i32
  }
  func.func @transform_4(%arg0: i32) -> (i32, i32) {
    %c0_i32 = arith.constant 0 : i32
    %c0_i32_0 = arith.constant 0 : i32
    return %arg0, %c0_i32 : i32, i32
  }
}

</mosaic_0001>

<sc_bundles>
// kernel: kernel.10.cloned.1.call-start
scs
__scs_entry_jumppad:
0x0: {  	(pc) =	sbr.rel $0x88, $3  }
0x1: {  	(tag) =	ssettag $0x0;
	lr =	simm.s32 $0x1  }
0x2: {  	[smem:$0x3F99] =	sst lr;
	_ =	strace $0xD0000000  }
0x3: {  	_ = 	snop  }
0x4: {  	_ = 	snop  }
0x5: {  	_ = 	snop  }
0x6: {  	_ = 	snop  }
0x7: {  	_ = 	snop  }
__scs_overlays_trampoline_lowered:
0x8: {  	[smem:$0x3FA8] =	sst s0  }
0x9: {  	[smem:$0x3FA9] =	sst s1  }
0xa: {  	[smem:$0x3FAA] =	sst s2  }
0xb: {  	[smem:$0x3FAB] =	sst s3  }
0xc: {  	[smem:$0x3FAC] =	sst s4  }
0xd: {  	[smem:$0x3FAD] =	sst s5  }
0xe: {  	[smem:$0x3FAE] =	sst s6  }
0xf: {  	[smem:$0x3FAF] =	sst s7  }
0x10: {  	[smem:$0x3FB0] =	sst s8  }
0x11: {  	[smem:$0x3FB1] =	sst s9;
	s0 =	simm.s32 @!p0 $0x0  }
0x12: {  	s1 =	sld [smem:$0x3F97];
	s0 =	simm.s32 @p0 $0x1  }
0x13: {  	[smem:$0x3FB2] =	sst s0;
	s0 =	simm.s32 @!p1 $0x0  }
0x14: {  	s2 =	sld [smem:$0x3F96];
	s0 =	simm.s32 @p1 $0x1  }
0x15: {  	[smem:$0x3FB3] =	sst s0;
	s0 =	simm.s32 @!p2 $0x0  }
0x16: {  	s3 =	sld [smem:$0x3FDB];
	s0 =	simm.s32 @p2 $0x1  }
0x17: {  	s4 =	simm.s32 $0x1BF5;
	[smem:$0x3FB5] =	sst s0  }
0x18: {  	s0 =	sld [smem:$0x3F98];
	_ =	swait.ge [sflag:s4], $0x0  }
0x19: {  	s7 =	sld [smem:$0x3F99]  }
0x1a: {  	s8 =	sadd.s32 $0xFFFFE003, lr  }
0x1b: {  	s9 =	sadd.s32 $0xFFFFFEF7, lr;
	s5 =	simm.s32 $0xFFFFFFFF;
	p2 =	slt.u32 s8, $0xFFFFF086  }
0x1c: {  	p1 =	slt.u32 s9, $0xF7A;
	s5 =	simm.s32 @!p2 $0x0  }
0x1d: {  	s5 =	simm.s32 @p1 $0x1;
	p0 =	seq.s32 s7, s2  }
0x1e: {  	s7 =	smul.u32 @!p0 $0xF7A, s2;
	p2 =	seq.s32 @!p0 s5, $0x0  }
0x1f: {  	s9 =	smul.u32 $0xF7A, s1;
	s8 =	simm.s32 @!p0 $0x1BF5;
	p2 =	por !p2, p0  }
0x20: {  	[sflag:s8] =	ssyncset.s32 @!p0 $0xFFFFF086;
	s6 =	sadd.s32 @!p0 s3, s7;
	s7 =	simm.s32 @!p0 $0x108  }
0x21: {  	s3 =	sadd.s32 s3, s9;
	s6 =	sadd.s32 @!p0 $0x88, s6;
	s7 =	simm.s32 @p2 $0x1082  }
0x22: {  	[simem:s7], [sflag:s8] =	dma.local @!p0 [hbm:s6], $0xF7A  }
0x23: {  	s9 =	sor.u32 $0xD0000000, s2;
	s6 =	simm.s32 $0x108;
	_ =	swait.ge @!p0 [sflag:s8], $0x0  }
0x24: {  	s3 =	sadd.s32 $0x88, s3;
	s6 =	simm.s32 @!p1 $0x1082;
	[sflag:s4] =	ssyncset.s32 $0xFFFFF086  }
0x25: {  	[simem:s6], [sflag:s4] =	dma.local [hbm:s3], $0xF7A  }
0x26: {  	[smem:$0x3F99] =	sst s1;
	(tag) =	ssettag s2;
	_ =	strace s9  }
0x27: {  	s1 =	sld [smem:$0x3FA9]  }
0x28: {  	s2 =	sld [smem:$0x3FAA]  }
0x29: {  	s4 =	sld [smem:$0x3FAC]  }
0x2a: {  	p0 =	seq.s32 s5, $0x0;
	s5 =	sld [smem:$0x3FAD]  }
0x2b: {  	s6 =	sld [smem:$0x3FAE]  }
0x2c: {  	s7 =	sld [smem:$0x3FAF]  }
0x2d: {  	s3 =	simm.s32 $0x108;
	s8 =	sld [smem:$0x3FB0]  }
0x2e: {  	s3 =	simm.s32 @!p0 $0x1082;
	s9 =	sld [smem:$0x3FB1]  }
0x2f: {  	lr =	sadd.s32 s0, s3;
	s0 =	sld [smem:$0x3FA8]  }
0x30: {  	s3 =	sld [smem:$0x3FAB]  }
0x31: {  	[smem:$0x3FB4] =	sst s10  }
0x32: {  	s10 =	sld [smem:$0x3FB2];
	_ =	sdelay $0x3  }
0x33: {  	p0 =	seq.s32 s10, $0x1;
	s10 =	sld [smem:$0x3FB4];
	_ =	sdelay $0x3  }
0x34: {  	[smem:$0x3FB4] =	sst s10  }
0x35: {  	s10 =	sld [smem:$0x3FB3];
	_ =	sdelay $0x3  }
0x36: {  	p1 =	seq.s32 s10, $0x1;
	s10 =	sld [smem:$0x3FB4];
	_ =	sdelay $0x3  }
0x37: {  	[smem:$0x3FB4] =	sst s10  }
0x38: {  	s10 =	sld [smem:$0x3FB5]  }
0x39: {  	_ = 	snop;
	(pc) =	sbr.ind lr, $3  }
0x3a: {  	_ = 	snop  }
0x3b: {  	_ = 	snop  }
0x3c: {  	p2 =	seq.s32 s10, $0x1;
	s10 =	sld [smem:$0x3FB4]  }
0x3d: {  	_ =	shalt  }
0x3e: {  	_ =	shalt  }
0x3f: {  	_ =	shalt  }
0x40: {  	_ =	shalt  }
0x41: {  	_ =	shalt  }
0x42: {  	_ =	shalt  }
0x43: {  	_ =	shalt  }
0x44: {  	_ =	shalt  }
0x45: {  	_ =	shalt  }
0x46: {  	_ =	shalt  }
0x47: {  	_ =	shalt  }
0x48: {  	_ =	shalt  }
0x49: {  	_ =	shalt  }
0x4a: {  	_ =	shalt  }
0x4b: {  	_ =	shalt  }
0x4c: {  	_ =	shalt  }
0x4d: {  	_ =	shalt  }
0x4e: {  	_ =	shalt  }
0x4f: {  	_ =	shalt  }
0x50: {  	_ =	shalt  }
0x51: {  	_ =	shalt  }
0x52: {  	_ =	shalt  }
0x53: {  	_ =	shalt  }
0x54: {  	_ =	shalt  }
0x55: {  	_ =	shalt  }
0x56: {  	_ =	shalt  }
0x57: {  	_ =	shalt  }
0x58: {  	_ =	shalt  }
0x59: {  	_ =	shalt  }
0x5a: {  	_ =	shalt  }
0x5b: {  	_ =	shalt  }
0x5c: {  	_ =	shalt  }
0x5d: {  	_ =	shalt  }
0x5e: {  	_ =	shalt  }
0x5f: {  	_ =	shalt  }
0x60: {  	_ =	shalt  }
0x61: {  	_ =	shalt  }
0x62: {  	_ =	shalt  }
0x63: {  	_ =	shalt  }
0x64: {  	_ =	shalt  }
0x65: {  	_ =	shalt  }
0x66: {  	_ =	shalt  }
0x67: {  	_ =	shalt  }
0x68: {  	_ =	shalt  }
0x69: {  	_ =	shalt  }
0x6a: {  	_ =	shalt  }
0x6b: {  	_ =	shalt  }
0x6c: {  	_ =	shalt  }
0x6d: {  	_ =	shalt  }
0x6e: {  	_ =	shalt  }
0x6f: {  	_ =	shalt  }
0x70: {  	_ =	shalt  }
0x71: {  	_ =	shalt  }
0x72: {  	_ =	shalt  }
0x73: {  	_ =	shalt  }
0x74: {  	_ =	shalt  }
0x75: {  	_ =	shalt  }
0x76: {  	_ =	shalt  }
0x77: {  	_ =	shalt  }
0x78: {  	_ =	shalt  }
0x79: {  	_ =	shalt  }
0x7a: {  	_ =	shalt  }
0x7b: {  	_ =	shalt  }
0x7c: {  	_ =	shalt  }
0x7d: {  	_ =	shalt  }
0x7e: {  	_ =	shalt  }
0x7f: {  	_ =	shalt  }
0x80: {  	_ =	shalt  }
0x81: {  	_ =	shalt  }
0x82: {  	_ =	shalt  }
0x83: {  	_ =	shalt  }
0x84: {  	_ =	shalt  }
0x85: {  	_ =	shalt  }
0x86: {  	_ =	shalt  }
0x87: {  	_ =	shalt  }
.Lfunc_end0:
.L_simem_size_0:
called_computation.1_lowered:
.L_overlay_start_0:
0x88: {  	s2 =	sld [smem:$0x3FD9]  }
0x89: {  	s3 =	sld [smem:$0x3FFE];
	_ =	sdelay $0x1  }
0x8a: {  	s1 =	srdreg.scid  }
0x8b: {  	s0 =	sand.u32 $0x1, s1  }
0x8c: {  	s17 =	sshll.u32 s0, $0xA;
	s2 =	sadd.s32 s3, s2  }
0x8d: {  	s2 =	sadd.s32 s2, s17  }
0x8e: {  	[smem:$0x3FC0] =	sst s2  }
0x8f: {  	_ = 	snop  }
0x90: {  	s2 =	sld [smem:$0x3FD0];
	(tm) =	ssettm $0x1  }
0x91: {  	s18 =	sld [smem:$0x3FFB];
	_ =	sdelay $0x3  }
0x92: {  	_ =	strace s18  }
0x93: {  	s3 =	sld [smem:$0x3FFC];
	_ =	sdelay $0x3  }
0x94: {  	_ =	strace s3  }
0x95: {  	s3 =	sld [smem:$0x3FFD];
	_ =	sdelay $0x3  }
0x96: {  	_ =	strace s3  }
0x97: {  	_ =	strace $0x8FFFFFFF  }
0x98: {  	s19 =	sld [smem:$0x3FDB];
	_ =	sdelay $0x1  }
0x99: {  	s4 =	simm.s32 $_scs_section_size  }
0x9a: {  	s5 =	simm.s32 $_size__tile_overlayer_lowered;
	s6 =	simm.s32 $_tile_overlayer_lowered  }
0x9b: {  	s22 =	simm.s32 $0x1BFF;
	s21 =	sshll.u32 s6, $0x1;
	s3 =	sadd.s32 s4, s19  }
0x9c: {  	s7 =	simm.s32 $0x0;
	s20 =	sshll.u32 s5, $0x1;
	s5 =	sadd.s32 s21, s3  }
0x9d: {  	[timem:s7], [sflag:s22] =	dma.local [hbm:s5], s20  }
0x9e: {  	_ =	swait.ge [sflag:s22], s20  }
0x9f: {  	s4 =	ssub.s32 $0x0, s20;
	[sflag:s22] =	ssyncset.done $0x0  }
0xa0: {  	[sflag:s22] =	ssyncadd.s32 s4;
	_ =	sdelay $0x1  }
0xa1: {  	s23 =	simm.s32 $0x1B8B  }
0xa2: {  	_ =	swait.ge [sflag:s23], $0x1  }
0xa3: {  	[sflag:s23] =	ssyncset.done $0x0  }
0xa4: {  	s25 =	simm.s32 $0x1B8E;
	s24 =	sld [smem:$0x3FFE];
	[sflag:s23] =	ssyncadd.s32 $0xFFFFFFFF  }
0xa5: {  	s26 =	simm.s32 $execute0_lowered;
	[smem:$0x3FD2] =	sst s25  }
0xa6: {  	s5 =	sshll.u32 s26, $0x1;
	_ =	strace $0x80000049;
	[dreg:$0x1] =	wrdreg $0xFFFFFFFF  }
0xa7: {  	s28 =	simm.s32 $_size_execute0_lowered;
	s3 =	sadd.s32 s3, s5;
	[dreg:$0x0] =	wrdreg $0x0  }
0xa8: {  	s5 =	sshll.u32 s28, $0x1;
	[dreg:$0x2] =	wrdreg s3  }
0xa9: {  	[dreg:$0x3] =	wrdreg s5  }
0xaa: {  	[dreg:$0x4] =	wrdreg $0xC0  }
0xab: {  	_ =	task [dreg:s7], $0x5FFFF  }
0xac: {  	[dreg:$0x1] =	wrdreg $0xFFFFFFFF  }
0xad: {  	[dreg:$0x0] =	wrdreg $0x60  }
0xae: {  	[dreg:$0x2] =	wrdreg s24  }
0xaf: {  	[dreg:$0x3] =	wrdreg s2  }
0xb0: {  	[dreg:$0x4] =	wrdreg $0xB0000  }
0xb1: {  	[dreg:$0x5] =	wrdreg $0x9  }
0xb2: {  	_ =	task.clear_ibuf [dreg:s7], $0x6FFFF;
	_ =	strace $0x90000049  }
0xb3: {  	s29 =	simm.s32 $0x9;
	_ =	strace $0x8000004B  }
0xb4: {  	_ =	swait.ge [sflag:s29], $0x1  }
0xb5: {  	[sflag:s29] =	ssyncadd.s32 $0xFFFFFFFF  }
0xb6: {  	_ =	strace $0x9000004B  }
0xb7: {  	_ =	sfence  }
0xb8: {  	s30 =	sld [smem:$0x0];
	_ =	sdelay $0x2  }
0xb9: {  	s31 =	sshll.u32 s1, $0xD;
	s1 =	sshrl.u32 s1, $0x2  }
0xba: {  	s3 =	sand.u32 $0x4000, s31;
	s1 =	sadd.s32 s1, s30  }
0xbb: {  	s0 =	sor.u32 s3, s0;
	s1 =	sshll.u32 s1, $0x11  }
0xbc: {  	s0 =	sor.u32 s1, s0  }
0xbd: {  	s0 =	sadd.s32 $0x8F2B, s0  }
0xbe: {  	[sflag:s0] =	ssyncadd.remote.s32 $0x1  }
0xbf: {  	_ =	sfence.sel $0xFFFF  }
0xc0: {  	[dreg:$0x0] =	wrdreg $0xFFFFFFFF;
	(pc) =	sbr.abs _section_cstart, $3  }
0xc1: {  	[dreg:$0x1] =	wrdreg $0xFFFFFFFF  }
0xc2: {  	_ =	task.clear_ibuf [dreg:s7], $0x2FFFF;
	_ =	strace $0x9FFFFFFF  }
0xc3: {  	(tm) =	ssettm $0x7FFFFFFF  }
tec
execute0_lowered:
.L_overlay_start_1:
0x0: {  	(tag) =	ssettag $0x1  }
0x1: {  	s6 =	rddreg [dreg:$0x0]  }
0x2: {  	s0 =	srdreg.scid;
	s8 =	rddreg [dreg:$0x1]  }
0x3: {  	s2 =	rddreg [dreg:$0x2];
	s3 =	simm.s32 $0x0;
	s17 =	simm.s32 $0x80  }
0x4: {  	s18 =	simm.s32 $0x7000;
	s5 =	sand.u32 $0x1, s0;
	s0 =	stileid.u32  }
0x5: {  	s19 =	simm.s32 $0x1;
	s20 =	simm.s32 $0x2;
	s9 =	smul.u32 $0x4F000, s0  }
0x6: {  	s21 =	simm.s32 $0x3;
	s22 =	simm.s32 $0x0;
	s10 =	smul.u32 $0x13C000, s5  }
0x7: {  	[smem:$0x7FF] =	sst s3;
	s11 =	sadd.s32 $0x1E00, s6;
	s12 =	smul.u32 $0x13C00, s0  }
0x8: {  	s4 =	sadd.s32 $0x15E00, s6;
	s1 =	sshll.u32 s5, $0x4;
	s14 =	smul.u32 $0x28000, s5  }
0x9: {  	s13 =	ssub.s32 $0x2, s5;
	s16 =	smul.u32 $0x2800, s0;
	s5 =	sadd.s32 $0x3D000, s6  }
0xa: {  	s31 =	sshll.u32 s0, $0x6;
	s1 =	sor.u32 s0, s1;
	s15 =	sshrl.u32 s13, $0x1  }
0xb: {  	s7 =	smul.u32 $0x2800, s1;
	s1 =	rddreg [dreg:$0x3];
	_ =	strace $0x8000004A  }
0xc: {  	s13 =	ssub.s32 s13, s15;
	s26 =	sshrl.u32 s9, $0x2;
	s28 =	sadd.s32 s12, s10  }
0xd: {  	s29 =	sadd.s32 s16, s14;
	s12 =	sor.u32 $0x1C04, s31;
	s14 =	simm.s32 $0x2800  }
.Ltmp0:
0xe: {  	s15 =	simm.s32 $0x7D;
	s16 =	simm.s32 $0x3000;
	(pc) =	sbr.rel .LBB2_1-.Ltmp0, $4  }
0xf: {  	s30 =	sadd.s32 s26, s2;
	s9 =	sshrl.u32 s28, $0x3;
	s10 =	sadd.s32 $0x50400, s29  }
0x10: {  	s7 =	sshrl.u32 s7, $0x3;
	s8 =	sadd.s32 s8, s9;
	s10 =	sshrl.u32 s10, $0x3  }
0x11: {  	s9 =	smax.u32 s13, $0x1;
	s13 =	sshrl.u32 s30, $0x3;
	s6 =	sadd.s32 s11, s7  }
0x12: {  	s10 =	sadd.s32 s10, s11;
	s11 =	simm.s32 $0x4;
	s7 =	sadd.s32 $0xA000, s6  }
.LBB2_3:
0x13: {  	_ =	swait.ge [sflag:s21], $0x3E80  }
0x14: {  	[sflag:s21] =	ssyncset.done $0x0  }
0x15: {  	s23 =	sadd.s32 $0x2B80, s26;
	[sflag:s21] =	ssyncadd.s32 $0xFFFFC180  }
0x16: {  	[spmem:s2] =	stream.indirect.scatter.add.f32 [tilespmem:s18], [sflag:$0x4], $0x80, s23, s15, $0xb8;
	[tilespmem:$0x1EC00] =	vst v63  }
0x17: {  	_ =	swait.ge [sflag:s11], $0x3E80  }
0x18: {  	[sflag:s11] =	ssyncset.done $0x0  }
0x19: {  	[sflag:s11] =	ssyncadd.s32 $0xFFFFC180  }
.LBB2_5:
0x1a: {  	s22 =	sadd.s32 $0x1, s22  }
0x1b: {  	p0 =	sne.s32 s22, s9  }
.Ltmp1:
0x1c: {  	[bflag:$0x0] =	sbarrier.arrive $0xFFFF;
	(pc) =	sbr.rel @!p0 .LBB2_6-.Ltmp1, $4  }
0x1d: {  	[hbm:s8], [sflag:s12] =	dma.local [spmem:s13], $0x2780  }
0x1e: {  	_ =	swait.ge [sflag:s11], $0x2780  }
0x1f: {  	[sflag:s11] =	ssyncset.done $0x0  }
0x20: {  	[sflag:s11] =	ssyncadd.s32 $0xFFFFD880  }
.LBB2_1:
0x21: {  	[tilespmem:s3], [sflag:$0x4] =	stream.linear.gather [hbm4b:s6+s3], $0x2800, $0x38;
	[tilespmem:$0x1EC00] =	vst v63  }
0x22: {  	_ =	swait.ge [sflag:s11], $0x2800  }
0x23: {  	[sflag:s11] =	ssyncset.done $0x0  }
0x24: {  	[sflag:s11] =	ssyncadd.s32 $0xFFFFD800  }
0x25: {  	[spmem:s13], [sflag:s12] =	dma.local [hbm:s5], $0x2780  }
0x26: {  	_ =	swait.ge [sflag:s11], $0x2780  }
0x27: {  	[sflag:s11] =	ssyncset.done $0x0  }
0x28: {  	[sflag:s11] =	ssyncadd.s32 $0xFFFFD880  }
0x29: {  	[tilespmem:s14], [sflag:$0x1] =	stream.linear.gather [hbm4b:s7+s3], $0x400, $0x38;
	[tilespmem:$0x1EC00] =	vst v63  }
0x2a: {  	_ = 	snop  }
0x2b: {  	[tilespmem:s16], [sflag:$0x2] =	stream.indirect.gather [hbm4b:s4+s15], $0x80, s3, s15, $0xb8;
	[tilespmem:$0x1EC00] =	vst v63  }
0x2c: {  	s23 =	smov.u32 s10  }
0x2d: {  	[tilespmem:s18], [sflag:$0x3] =	stream.indirect.gather [hbm4b:s4+s15], $0x80, s17, s15, $0xb8;
	[tilespmem:$0x1EC00] =	vst v63  }
0x2e: {  	s24 =	simm.s32 $0x0;
	s25 =	simm.s32 $0x0;
	[bflag:$0x0] =	sbarrier.arrive $0xFFFF  }
.LBB2_2:
0x2f: {  	s26 =	sand.u32 $0x1, s25;
	_ =	swait.ge [sflag:s19], $0x400;
	p0 =	seq.s32 s24, $0x9000  }
0x30: {  	[sflag:s19] =	ssyncset.done $0x0;
	s28 =	sshll.u32 @!p0 s26, $0xA  }
0x31: {  	s29 =	simm.s32 @!p0 $0x0;
	[sflag:s19] =	ssyncadd.s32 $0xFFFFFC00;
	s28 =	sxor.u32 @!p0 $0x2C00, s28  }
0x32: {  	[tilespmem:s28], [sflag:$0x1] =	stream.linear.gather @!p0 [hbm4b:s23+s29], $0x400, $0x38;
	[tilespmem:$0x1EC00] =	vst v63  }
0x33: {  	_ =	swait.ge [sflag:s20], $0x3E80  }
0x34: {  	s26 =	sshll.u32 s26, $0xA;
	[sflag:s20] =	ssyncset.done $0x0  }
0x35: {  	s28 =	sor.u32 $0x2800, s26;
	[sflag:s20] =	ssyncadd.s32 $0xFFFFC180  }
0x36: {  	[spmem:s2] =	stream.indirect.scatter.add.f32 [tilespmem:s16], [sflag:$0x4], $0x80, s28, s15, $0xb8;
	[tilespmem:$0x1EC00] =	vst v63  }
0x37: {  	_ =	swait.ge [sflag:s11], $0x3E80  }
0x38: {  	s28 =	sshra.s32 s24, $0x2;
	[sflag:s11] =	ssyncset.done $0x0  }
0x39: {  	s30 =	sadd.s32 $0x100, s28;
	[sflag:s11] =	ssyncadd.s32 $0xFFFFC180  }
0x3a: {  	[tilespmem:s16], [sflag:$0x2] =	stream.indirect.gather [hbm4b:s4+s15], $0x80, s30, s15, $0xb8;
	[tilespmem:$0x1EC00] =	vst v63  }
0x3b: {  	_ =	swait.ge [sflag:s21], $0x3E80  }
0x3c: {  	[sflag:s21] =	ssyncset.done $0x0  }
0x3d: {  	s31 =	sor.u32 $0x2880, s26;
	[sflag:s21] =	ssyncadd.s32 $0xFFFFC180  }
0x3e: {  	[spmem:s2] =	stream.indirect.scatter.add.f32 [tilespmem:s18], [sflag:$0x4], $0x80, s31, s15, $0xb8;
	[tilespmem:$0x1EC00] =	vst v63  }
0x3f: {  	_ =	swait.ge [sflag:s11], $0x3E80  }
0x40: {  	[sflag:s11] =	ssyncset.done $0x0  }
0x41: {  	s30 =	sadd.s32 $0x180, s28;
	[sflag:s11] =	ssyncadd.s32 $0xFFFFC180  }
0x42: {  	[tilespmem:s18], [sflag:$0x3] =	stream.indirect.gather [hbm4b:s4+s15], $0x80, s30, s15, $0xb8;
	[tilespmem:$0x1EC00] =	vst v63  }
0x43: {  	_ =	swait.ge [sflag:s20], $0x3E80  }
0x44: {  	[sflag:s20] =	ssyncset.done $0x0  }
0x45: {  	s31 =	sor.u32 $0x2900, s26;
	[sflag:s20] =	ssyncadd.s32 $0xFFFFC180  }
0x46: {  	[spmem:s2] =	stream.indirect.scatter.add.f32 [tilespmem:s16], [sflag:$0x4], $0x80, s31, s15, $0xb8;
	[tilespmem:$0x1EC00] =	vst v63  }
0x47: {  	_ =	swait.ge [sflag:s11], $0x3E80  }
0x48: {  	[sflag:s11] =	ssyncset.done $0x0  }
0x49: {  	s30 =	sadd.s32 $0x200, s28;
	[sflag:s11] =	ssyncadd.s32 $0xFFFFC180  }
0x4a: {  	[tilespmem:s16], [sflag:$0x2] =	stream.indirect.gather [hbm4b:s4+s15], $0x80, s30, s15, $0xb8;
	[tilespmem:$0x1EC00] =	vst v63  }
0x4b: {  	_ =	swait.ge [sflag:s21], $0x3E80  }
0x4c: {  	[sflag:s21] =	ssyncset.done $0x0  }
0x4d: {  	s31 =	sor.u32 $0x2980, s26;
	[sflag:s21] =	ssyncadd.s32 $0xFFFFC180  }
0x4e: {  	[spmem:s2] =	stream.indirect.scatter.add.f32 [tilespmem:s18], [sflag:$0x4], $0x80, s31, s15, $0xb8;
	[tilespmem:$0x1EC00] =	vst v63  }
0x4f: {  	_ =	swait.ge [sflag:s11], $0x3E80  }
0x50: {  	[sflag:s11] =	ssyncset.done $0x0  }
0x51: {  	s30 =	sadd.s32 $0x280, s28;
	[sflag:s11] =	ssyncadd.s32 $0xFFFFC180  }
0x52: {  	[tilespmem:s18], [sflag:$0x3] =	stream.indirect.gather [hbm4b:s4+s15], $0x80, s30, s15, $0xb8;
	[tilespmem:$0x1EC00] =	vst v63  }
0x53: {  	_ =	swait.ge [sflag:s20], $0x3E80  }
0x54: {  	[sflag:s20] =	ssyncset.done $0x0  }
0x55: {  	s31 =	sor.u32 $0x2A00, s26;
	[sflag:s20] =	ssyncadd.s32 $0xFFFFC180  }
0x56: {  	[spmem:s2] =	stream.indirect.scatter.add.f32 [tilespmem:s16], [sflag:$0x4], $0x80, s31, s15, $0xb8;
	[tilespmem:$0x1EC00] =	vst v63  }
0x57: {  	_ =	swait.ge [sflag:s11], $0x3E80  }
0x58: {  	[sflag:s11] =	ssyncset.done $0x0  }
0x59: {  	s30 =	sadd.s32 $0x300, s28;
	[sflag:s11] =	ssyncadd.s32 $0xFFFFC180  }
0x5a: {  	[tilespmem:s16], [sflag:$0x2] =	stream.indirect.gather [hbm4b:s4+s15], $0x80, s30, s15, $0xb8;
	[tilespmem:$0x1EC00] =	vst v63  }
0x5b: {  	_ =	swait.ge [sflag:s21], $0x3E80  }
0x5c: {  	[sflag:s21] =	ssyncset.done $0x0  }
0x5d: {  	s31 =	sor.u32 $0x2A80, s26;
	[sflag:s21] =	ssyncadd.s32 $0xFFFFC180  }
0x5e: {  	[spmem:s2] =	stream.indirect.scatter.add.f32 [tilespmem:s18], [sflag:$0x4], $0x80, s31, s15, $0xb8;
	[tilespmem:$0x1EC00] =	vst v63  }
0x5f: {  	_ =	swait.ge [sflag:s11], $0x3E80  }
0x60: {  	[sflag:s11] =	ssyncset.done $0x0  }
0x61: {  	s30 =	sadd.s32 $0x380, s28;
	[sflag:s11] =	ssyncadd.s32 $0xFFFFC180  }
0x62: {  	[tilespmem:s18], [sflag:$0x3] =	stream.indirect.gather [hbm4b:s4+s15], $0x80, s30, s15, $0xb8;
	[tilespmem:$0x1EC00] =	vst v63  }
0x63: {  	_ =	swait.ge [sflag:s20], $0x3E80  }
0x64: {  	p0 =	sne.s32 s24, $0x9000;
	[sflag:s20] =	ssyncset.done $0x0  }
.Ltmp2:
0x65: {  	s31 =	sor.u32 $0x2B00, s26;
	[sflag:s20] =	ssyncadd.s32 $0xFFFFC180;
	(pc) =	sbr.rel @!p0 .LBB2_3-.Ltmp2, $4  }
0x66: {  	[spmem:s2] =	stream.indirect.scatter.add.f32 [tilespmem:s16], [sflag:$0x4], $0x80, s31, s15, $0xb8;
	[tilespmem:$0x1EC00] =	vst v63  }
0x67: {  	_ =	swait.ge [sflag:s11], $0x3E80  }
0x68: {  	[sflag:s11] =	ssyncset.done $0x0  }
0x69: {  	[sflag:s11] =	ssyncadd.s32 $0xFFFFC180  }
0x6a: {  	s29 =	sadd.s32 $0x400, s28  }
0x6b: {  	[tilespmem:s16], [sflag:$0x2] =	stream.indirect.gather [hbm4b:s4+s15], $0x80, s29, s15, $0xb8;
	[tilespmem:$0x1EC00] =	vst v63  }
0x6c: {  	_ =	swait.ge [sflag:s21], $0x3E80  }
0x6d: {  	s24 =	sadd.s32 $0x1000, s24;
	[sflag:s21] =	ssyncset.done $0x0  }
0x6e: {  	s26 =	sadd.s32 $0x2B80, s26;
	p0 =	sne.s32 s24, $0xA000;
	[sflag:s21] =	ssyncadd.s32 $0xFFFFC180  }
0x6f: {  	[spmem:s2] =	stream.indirect.scatter.add.f32 [tilespmem:s18], [sflag:$0x4], $0x80, s26, s15, $0xb8;
	[tilespmem:$0x1EC00] =	vst v63  }
.Ltmp3:
0x70: {  	_ = 	snop;
	(pc) =	sbr.rel @p0 .LBB2_2-.Ltmp3, $4  }
.Ltmp4:
0x71: {  	_ =	swait.ge [sflag:s11], $0x3E80;
	(pc) =	sbr.rel @!p0 .LBB2_5-.Ltmp4, $4  }
0x72: {  	s31 =	sadd.s32 $0x480, s28;
	[sflag:s11] =	ssyncset.done $0x0  }
0x73: {  	s23 =	sadd.s32 $0x80, s23;
	s25 =	sadd.s32 $0x1, s25;
	[sflag:s11] =	ssyncadd.s32 $0xFFFFC180  }
0x74: {  	[tilespmem:s18], [sflag:$0x3] =	stream.indirect.gather [hbm4b:s4+s15], $0x80, s31, s15, $0xb8;
	[tilespmem:$0x1EC00] =	vst v63  }
0x75: {  	_ = 	snop  }
.LBB2_6:
0x76: {  	_ =	sfence.sel $0x180000  }
0x77: {  	[bflag:$0x0] =	sbarrier.arrive $0xFFFF  }
0x78: {  	p0 =	sne.s32 s0, $0x0;
	_ =	strace $0x9000004A  }
0x79: {  	s0 =	sadd.s32 @!p0 $0x100000, s1;
	[bflag:$0x2] =	sbarrier.arrive $0xFFFF  }
0x7a: {  	[sflag:s0] =	ssyncadd.tile.s32 @!p0 $0x1;
	_ =	shalt  }
.Lfunc_end2:
_tile_overlayer_lowered:
.L_overlay_start_2:
0x7b: {  	(tag) =	ssettag $0x2  }
0x7c: {  	s0 =	rddreg [dreg:$0x0];
	s2 =	stileid.u32  }
0x7d: {  	s1 =	rddreg [dreg:$0x1];
	p0 =	sne.s32 s2, $0x0  }
0x7e: {  	s3 =	rddreg [dreg:$0x2];
	[bflag:$0x3] =	sbarrier.arrive $0xFFFF;
	s2 =	simm.s32 @!p0 $0x1C04  }
0x7f: {  	[timem:s3], [sflag:s2] =	dma.local @!p0 [hbm:s0], s1  }
0x80: {  	s0 =	simm.s32 @!p0 $0x4  }
0x81: {  	_ =	swait.ge @!p0 [sflag:s0], s1  }
0x82: {  	s1 =	ssub.s32 @!p0 $0x0, s1;
	[sflag:s0] =	ssyncset.done @!p0 $0x0  }
0x83: {  	[sflag:s0] =	ssyncadd.s32 @!p0 s1  }
0x84: {  	[bflag:$0x3] =	sbarrier.arrive $0xFFFF  }
0x85: {  	_ =	shalt  }

// kernel: kernel.7.cloned.1.call-start
scs
__scs_entry_jumppad:
0x0: {  	(pc) =	sbr.rel $0x88, $3  }
0x1: {  	(tag) =	ssettag $0x0;
	lr =	simm.s32 $0x1  }
0x2: {  	[smem:$0x3F99] =	sst lr;
	_ =	strace $0xD0000000  }
0x3: {  	_ = 	snop  }
0x4: {  	_ = 	snop  }
0x5: {  	_ = 	snop  }
0x6: {  	_ = 	snop  }
0x7: {  	_ = 	snop  }
__scs_overlays_trampoline_lowered:
0x8: {  	[smem:$0x3FA8] =	sst s0  }
0x9: {  	[smem:$0x3FA9] =	sst s1  }
0xa: {  	[smem:$0x3FAA] =	sst s2  }
0xb: {  	[smem:$0x3FAB] =	sst s3  }
0xc: {  	[smem:$0x3FAC] =	sst s4  }
0xd: {  	[smem:$0x3FAD] =	sst s5  }
0xe: {  	[smem:$0x3FAE] =	sst s6  }
0xf: {  	[smem:$0x3FAF] =	sst s7  }
0x10: {  	[smem:$0x3FB0] =	sst s8  }
0x11: {  	[smem:$0x3FB1] =	sst s9;
	s0 =	simm.s32 @!p0 $0x0  }
0x12: {  	s1 =	sld [smem:$0x3F97];
	s0 =	simm.s32 @p0 $0x1  }
0x13: {  	[smem:$0x3FB2] =	sst s0;
	s0 =	simm.s32 @!p1 $0x0  }
0x14: {  	s2 =	sld [smem:$0x3F96];
	s0 =	simm.s32 @p1 $0x1  }
0x15: {  	[smem:$0x3FB3] =	sst s0;
	s0 =	simm.s32 @!p2 $0x0  }
0x16: {  	s3 =	sld [smem:$0x3FDB];
	s0 =	simm.s32 @p2 $0x1  }
0x17: {  	s4 =	simm.s32 $0x1BF5;
	[smem:$0x3FB5] =	sst s0  }
0x18: {  	s0 =	sld [smem:$0x3F98];
	_ =	swait.ge [sflag:s4], $0x0  }
0x19: {  	s7 =	sld [smem:$0x3F99]  }
0x1a: {  	s8 =	sadd.s32 $0xFFFFE003, lr  }
0x1b: {  	s9 =	sadd.s32 $0xFFFFFEF7, lr;
	s5 =	simm.s32 $0xFFFFFFFF;
	p2 =	slt.u32 s8, $0xFFFFF086  }
0x1c: {  	p1 =	slt.u32 s9, $0xF7A;
	s5 =	simm.s32 @!p2 $0x0  }
0x1d: {  	s5 =	simm.s32 @p1 $0x1;
	p0 =	seq.s32 s7, s2  }
0x1e: {  	s7 =	smul.u32 @!p0 $0xF7A, s2;
	p2 =	seq.s32 @!p0 s5, $0x0  }
0x1f: {  	s9 =	smul.u32 $0xF7A, s1;
	s8 =	simm.s32 @!p0 $0x1BF5;
	p2 =	por !p2, p0  }
0x20: {  	[sflag:s8] =	ssyncset.s32 @!p0 $0xFFFFF086;
	s6 =	sadd.s32 @!p0 s3, s7;
	s7 =	simm.s32 @!p0 $0x108  }
0x21: {  	s3 =	sadd.s32 s3, s9;
	s6 =	sadd.s32 @!p0 $0x88, s6;
	s7 =	simm.s32 @p2 $0x1082  }
0x22: {  	[simem:s7], [sflag:s8] =	dma.local @!p0 [hbm:s6], $0xF7A  }
0x23: {  	s9 =	sor.u32 $0xD0000000, s2;
	s6 =	simm.s32 $0x108;
	_ =	swait.ge @!p0 [sflag:s8], $0x0  }
0x24: {  	s3 =	sadd.s32 $0x88, s3;
	s6 =	simm.s32 @!p1 $0x1082;
	[sflag:s4] =	ssyncset.s32 $0xFFFFF086  }
0x25: {  	[simem:s6], [sflag:s4] =	dma.local [hbm:s3], $0xF7A  }
0x26: {  	[smem:$0x3F99] =	sst s1;
	(tag) =	ssettag s2;
	_ =	strace s9  }
0x27: {  	s1 =	sld [smem:$0x3FA9]  }
0x28: {  	s2 =	sld [smem:$0x3FAA]  }
0x29: {  	s4 =	sld [smem:$0x3FAC]  }
0x2a: {  	p0 =	seq.s32 s5, $0x0;
	s5 =	sld [smem:$0x3FAD]  }
0x2b: {  	s6 =	sld [smem:$0x3FAE]  }
0x2c: {  	s7 =	sld [smem:$0x3FAF]  }
0x2d: {  	s3 =	simm.s32 $0x108;
	s8 =	sld [smem:$0x3FB0]  }
0x2e: {  	s3 =	simm.s32 @!p0 $0x1082;
	s9 =	sld [smem:$0x3FB1]  }
0x2f: {  	lr =	sadd.s32 s0, s3;
	s0 =	sld [smem:$0x3FA8]  }
0x30: {  	s3 =	sld [smem:$0x3FAB]  }
0x31: {  	[smem:$0x3FB4] =	sst s10  }
0x32: {  	s10 =	sld [smem:$0x3FB2];
	_ =	sdelay $0x3  }
0x33: {  	p0 =	seq.s32 s10, $0x1;
	s10 =	sld [smem:$0x3FB4];
	_ =	sdelay $0x3  }
0x34: {  	[smem:$0x3FB4] =	sst s10  }
0x35: {  	s10 =	sld [smem:$0x3FB3];
	_ =	sdelay $0x3  }
0x36: {  	p1 =	seq.s32 s10, $0x1;
	s10 =	sld [smem:$0x3FB4];
	_ =	sdelay $0x3  }
0x37: {  	[smem:$0x3FB4] =	sst s10  }
0x38: {  	s10 =	sld [smem:$0x3FB5]  }
0x39: {  	_ = 	snop;
	(pc) =	sbr.ind lr, $3  }
0x3a: {  	_ = 	snop  }
0x3b: {  	_ = 	snop  }
0x3c: {  	p2 =	seq.s32 s10, $0x1;
	s10 =	sld [smem:$0x3FB4]  }
0x3d: {  	_ =	shalt  }
0x3e: {  	_ =	shalt  }
0x3f: {  	_ =	shalt  }
0x40: {  	_ =	shalt  }
0x41: {  	_ =	shalt  }
0x42: {  	_ =	shalt  }
0x43: {  	_ =	shalt  }
0x44: {  	_ =	shalt  }
0x45: {  	_ =	shalt  }
0x46: {  	_ =	shalt  }
0x47: {  	_ =	shalt  }
0x48: {  	_ =	shalt  }
0x49: {  	_ =	shalt  }
0x4a: {  	_ =	shalt  }
0x4b: {  	_ =	shalt  }
0x4c: {  	_ =	shalt  }
0x4d: {  	_ =	shalt  }
0x4e: {  	_ =	shalt  }
0x4f: {  	_ =	shalt  }
0x50: {  	_ =	shalt  }
0x51: {  	_ =	shalt  }
0x52: {  	_ =	shalt  }
0x53: {  	_ =	shalt  }
0x54: {  	_ =	shalt  }
0x55: {  	_ =	shalt  }
0x56: {  	_ =	shalt  }
0x57: {  	_ =	shalt  }
0x58: {  	_ =	shalt  }
0x59: {  	_ =	shalt  }
0x5a: {  	_ =	shalt  }
0x5b: {  	_ =	shalt  }
0x5c: {  	_ =	shalt  }
0x5d: {  	_ =	shalt  }
0x5e: {  	_ =	shalt  }
0x5f: {  	_ =	shalt  }
0x60: {  	_ =	shalt  }
0x61: {  	_ =	shalt  }
0x62: {  	_ =	shalt  }
0x63: {  	_ =	shalt  }
0x64: {  	_ =	shalt  }
0x65: {  	_ =	shalt  }
0x66: {  	_ =	shalt  }
0x67: {  	_ =	shalt  }
0x68: {  	_ =	shalt  }
0x69: {  	_ =	shalt  }
0x6a: {  	_ =	shalt  }
0x6b: {  	_ =	shalt  }
0x6c: {  	_ =	shalt  }
0x6d: {  	_ =	shalt  }
0x6e: {  	_ =	shalt  }
0x6f: {  	_ =	shalt  }
0x70: {  	_ =	shalt  }
0x71: {  	_ =	shalt  }
0x72: {  	_ =	shalt  }
0x73: {  	_ =	shalt  }
0x74: {  	_ =	shalt  }
0x75: {  	_ =	shalt  }
0x76: {  	_ =	shalt  }
0x77: {  	_ =	shalt  }
0x78: {  	_ =	shalt  }
0x79: {  	_ =	shalt  }
0x7a: {  	_ =	shalt  }
0x7b: {  	_ =	shalt  }
0x7c: {  	_ =	shalt  }
0x7d: {  	_ =	shalt  }
0x7e: {  	_ =	shalt  }
0x7f: {  	_ =	shalt  }
0x80: {  	_ =	shalt  }
0x81: {  	_ =	shalt  }
0x82: {  	_ =	shalt  }
0x83: {  	_ =	shalt  }
0x84: {  	_ =	shalt  }
0x85: {  	_ =	shalt  }
0x86: {  	_ =	shalt  }
0x87: {  	_ =	shalt  }
.Lfunc_end0:
.L_simem_size_0:
called_computation_lowered:
.L_overlay_start_0:
0x88: {  	s2 =	sld [smem:$0x3FD9]  }
0x89: {  	s3 =	sld [smem:$0x3FFE];
	_ =	sdelay $0x1  }
0x8a: {  	s1 =	srdreg.scid  }
0x8b: {  	s0 =	sand.u32 $0x1, s1  }
0x8c: {  	s17 =	sshll.u32 s0, $0xA;
	s2 =	sadd.s32 s3, s2  }
0x8d: {  	s2 =	sadd.s32 s2, s17  }
0x8e: {  	[smem:$0x3FC0] =	sst s2  }
0x8f: {  	_ = 	snop  }
0x90: {  	s2 =	sld [smem:$0x3FD0];
	(tm) =	ssettm $0x1  }
0x91: {  	s18 =	sld [smem:$0x3FFB];
	_ =	sdelay $0x3  }
0x92: {  	_ =	strace s18  }
0x93: {  	s3 =	sld [smem:$0x3FFC];
	_ =	sdelay $0x3  }
0x94: {  	_ =	strace s3  }
0x95: {  	s3 =	sld [smem:$0x3FFD];
	_ =	sdelay $0x3  }
0x96: {  	_ =	strace s3  }
0x97: {  	_ =	strace $0x8FFFFFFF  }
0x98: {  	s19 =	sld [smem:$0x3FDB];
	_ =	sdelay $0x1  }
0x99: {  	s4 =	simm.s32 $_scs_section_size  }
0x9a: {  	s5 =	simm.s32 $_size__tile_overlayer_lowered;
	s6 =	simm.s32 $_tile_overlayer_lowered  }
0x9b: {  	s22 =	simm.s32 $0x1BFF;
	s21 =	sshll.u32 s6, $0x1;
	s3 =	sadd.s32 s4, s19  }
0x9c: {  	s7 =	simm.s32 $0x0;
	s20 =	sshll.u32 s5, $0x1;
	s5 =	sadd.s32 s21, s3  }
0x9d: {  	[timem:s7], [sflag:s22] =	dma.local [hbm:s5], s20  }
0x9e: {  	_ =	swait.ge [sflag:s22], s20  }
0x9f: {  	s4 =	ssub.s32 $0x0, s20;
	[sflag:s22] =	ssyncset.done $0x0  }
0xa0: {  	[sflag:s22] =	ssyncadd.s32 s4;
	_ =	sdelay $0x1  }
0xa1: {  	s23 =	simm.s32 $0x1B8B  }
0xa2: {  	_ =	swait.ge [sflag:s23], $0x1  }
0xa3: {  	[sflag:s23] =	ssyncset.done $0x0  }
0xa4: {  	s25 =	simm.s32 $0x1B8E;
	s24 =	sld [smem:$0x3FFE];
	[sflag:s23] =	ssyncadd.s32 $0xFFFFFFFF  }
0xa5: {  	s26 =	simm.s32 $execute0_lowered;
	[smem:$0x3FD2] =	sst s25  }
0xa6: {  	s5 =	sshll.u32 s26, $0x1;
	_ =	strace $0x80000046;
	[dreg:$0x1] =	wrdreg $0xFFFFFFFF  }
0xa7: {  	s28 =	simm.s32 $_size_execute0_lowered;
	s3 =	sadd.s32 s3, s5;
	[dreg:$0x0] =	wrdreg $0x0  }
0xa8: {  	s5 =	sshll.u32 s28, $0x1;
	[dreg:$0x2] =	wrdreg s3  }
0xa9: {  	[dreg:$0x3] =	wrdreg s5  }
0xaa: {  	[dreg:$0x4] =	wrdreg $0xC0  }
0xab: {  	_ =	task [dreg:s7], $0x5FFFF  }
0xac: {  	[dreg:$0x1] =	wrdreg $0xFFFFFFFF  }
0xad: {  	[dreg:$0x0] =	wrdreg $0x60  }
0xae: {  	[dreg:$0x2] =	wrdreg s24  }
0xaf: {  	[dreg:$0x3] =	wrdreg s2  }
0xb0: {  	[dreg:$0x4] =	wrdreg $0xB0000  }
0xb1: {  	[dreg:$0x5] =	wrdreg $0x9  }
0xb2: {  	_ =	task.clear_ibuf [dreg:s7], $0x6FFFF;
	_ =	strace $0x90000046  }
0xb3: {  	s29 =	simm.s32 $0x9;
	_ =	strace $0x80000048  }
0xb4: {  	_ =	swait.ge [sflag:s29], $0x1  }
0xb5: {  	[sflag:s29] =	ssyncadd.s32 $0xFFFFFFFF  }
0xb6: {  	_ =	strace $0x90000048  }
0xb7: {  	_ =	sfence  }
0xb8: {  	s30 =	sld [smem:$0x0];
	_ =	sdelay $0x2  }
0xb9: {  	s31 =	sshll.u32 s1, $0xD;
	s1 =	sshrl.u32 s1, $0x2  }
0xba: {  	s3 =	sand.u32 $0x4000, s31;
	s1 =	sadd.s32 s1, s30  }
0xbb: {  	s0 =	sor.u32 s3, s0;
	s1 =	sshll.u32 s1, $0x11  }
0xbc: {  	s0 =	sor.u32 s1, s0  }
0xbd: {  	s0 =	sadd.s32 $0x8F2B, s0  }
0xbe: {  	[sflag:s0] =	ssyncadd.remote.s32 $0x1  }
0xbf: {  	_ =	sfence.sel $0xFFFF  }
0xc0: {  	[dreg:$0x0] =	wrdreg $0xFFFFFFFF;
	(pc) =	sbr.abs _section_cstart, $3  }
0xc1: {  	[dreg:$0x1] =	wrdreg $0xFFFFFFFF  }
0xc2: {  	_ =	task.clear_ibuf [dreg:s7], $0x2FFFF;
	_ =	strace $0x9FFFFFFF  }
0xc3: {  	(tm) =	ssettm $0x7FFFFFFF  }
tec
execute0_lowered:
.L_overlay_start_1:
0x0: {  	(tag) =	ssettag $0x1  }
0x1: {  	s6 =	rddreg [dreg:$0x0]  }
0x2: {  	s0 =	srdreg.scid;
	s8 =	rddreg [dreg:$0x1]  }
0x3: {  	s2 =	rddreg [dreg:$0x2];
	s3 =	simm.s32 $0x0;
	s17 =	simm.s32 $0x80  }
0x4: {  	s18 =	simm.s32 $0x7000;
	s5 =	sand.u32 $0x1, s0;
	s0 =	stileid.u32  }
0x5: {  	s19 =	simm.s32 $0x1;
	s20 =	simm.s32 $0x2;
	s9 =	smul.u32 $0x4F000, s0  }
0x6: {  	s21 =	simm.s32 $0x3;
	s22 =	simm.s32 $0x0;
	s10 =	smul.u32 $0x13C000, s5  }
0x7: {  	[smem:$0x7FF] =	sst s3;
	s11 =	sadd.s32 $0x1E00, s6;
	s12 =	smul.u32 $0x13C00, s0  }
0x8: {  	s4 =	sadd.s32 $0x15E00, s6;
	s1 =	sshll.u32 s5, $0x4;
	s14 =	smul.u32 $0x28000, s5  }
0x9: {  	s13 =	ssub.s32 $0x2, s5;
	s16 =	smul.u32 $0x2800, s0;
	s5 =	sadd.s32 $0x3D000, s6  }
0xa: {  	s31 =	sshll.u32 s0, $0x6;
	s1 =	sor.u32 s0, s1;
	s15 =	sshrl.u32 s13, $0x1  }
0xb: {  	s7 =	smul.u32 $0x2800, s1;
	s1 =	rddreg [dreg:$0x3];
	_ =	strace $0x80000047  }
0xc: {  	s13 =	ssub.s32 s13, s15;
	s26 =	sshrl.u32 s9, $0x2;
	s28 =	sadd.s32 s12, s10  }
0xd: {  	s29 =	sadd.s32 s16, s14;
	s12 =	sor.u32 $0x1C04, s31;
	s14 =	simm.s32 $0x2800  }
.Ltmp0:
0xe: {  	s15 =	simm.s32 $0x7D;
	s16 =	simm.s32 $0x3000;
	(pc) =	sbr.rel .LBB2_1-.Ltmp0, $4  }
0xf: {  	s30 =	sadd.s32 s26, s2;
	s9 =	sshrl.u32 s28, $0x3;
	s10 =	sadd.s32 $0x50400, s29  }
0x10: {  	s7 =	sshrl.u32 s7, $0x3;
	s8 =	sadd.s32 s8, s9;
	s10 =	sshrl.u32 s10, $0x3  }
0x11: {  	s9 =	smax.u32 s13, $0x1;
	s13 =	sshrl.u32 s30, $0x3;
	s6 =	sadd.s32 s11, s7  }
0x12: {  	s10 =	sadd.s32 s10, s11;
	s11 =	simm.s32 $0x4;
	s7 =	sadd.s32 $0xA000, s6  }
.LBB2_3:
0x13: {  	_ =	swait.ge [sflag:s21], $0x3E80  }
0x14: {  	[sflag:s21] =	ssyncset.done $0x0  }
0x15: {  	s23 =	sadd.s32 $0x2B80, s26;
	[sflag:s21] =	ssyncadd.s32 $0xFFFFC180  }
0x16: {  	[spmem:s2] =	stream.indirect.scatter.add.f32 [tilespmem:s18], [sflag:$0x4], $0x80, s23, s15, $0xb8;
	[tilespmem:$0x1EC00] =	vst v63  }
0x17: {  	_ =	swait.ge [sflag:s11], $0x3E80  }
0x18: {  	[sflag:s11] =	ssyncset.done $0x0  }
0x19: {  	[sflag:s11] =	ssyncadd.s32 $0xFFFFC180  }
.LBB2_5:
0x1a: {  	s22 =	sadd.s32 $0x1, s22  }
0x1b: {  	p0 =	sne.s32 s22, s9  }
.Ltmp1:
0x1c: {  	[bflag:$0x0] =	sbarrier.arrive $0xFFFF;
	(pc) =	sbr.rel @!p0 .LBB2_6-.Ltmp1, $4  }
0x1d: {  	[hbm:s8], [sflag:s12] =	dma.local [spmem:s13], $0x2780  }
0x1e: {  	_ =	swait.ge [sflag:s11], $0x2780  }
0x1f: {  	[sflag:s11] =	ssyncset.done $0x0  }
0x20: {  	[sflag:s11] =	ssyncadd.s32 $0xFFFFD880  }
.LBB2_1:
0x21: {  	[tilespmem:s3], [sflag:$0x4] =	stream.linear.gather [hbm4b:s6+s3], $0x2800, $0x38;
	[tilespmem:$0x1EC00] =	vst v63  }
0x22: {  	_ =	swait.ge [sflag:s11], $0x2800  }
0x23: {  	[sflag:s11] =	ssyncset.done $0x0  }
0x24: {  	[sflag:s11] =	ssyncadd.s32 $0xFFFFD800  }
0x25: {  	[spmem:s13], [sflag:s12] =	dma.local [hbm:s5], $0x2780  }
0x26: {  	_ =	swait.ge [sflag:s11], $0x2780  }
0x27: {  	[sflag:s11] =	ssyncset.done $0x0  }
0x28: {  	[sflag:s11] =	ssyncadd.s32 $0xFFFFD880  }
0x29: {  	[tilespmem:s14], [sflag:$0x1] =	stream.linear.gather [hbm4b:s7+s3], $0x400, $0x38;
	[tilespmem:$0x1EC00] =	vst v63  }
0x2a: {  	_ = 	snop  }
0x2b: {  	[tilespmem:s16], [sflag:$0x2] =	stream.indirect.gather [hbm4b:s4+s15], $0x80, s3, s15, $0xb8;
	[tilespmem:$0x1EC00] =	vst v63  }
0x2c: {  	s23 =	smov.u32 s10  }
0x2d: {  	[tilespmem:s18], [sflag:$0x3] =	stream.indirect.gather [hbm4b:s4+s15], $0x80, s17, s15, $0xb8;
	[tilespmem:$0x1EC00] =	vst v63  }
0x2e: {  	s24 =	simm.s32 $0x0;
	s25 =	simm.s32 $0x0;
	[bflag:$0x0] =	sbarrier.arrive $0xFFFF  }
.LBB2_2:
0x2f: {  	s26 =	sand.u32 $0x1, s25;
	_ =	swait.ge [sflag:s19], $0x400;
	p0 =	seq.s32 s24, $0x9000  }
0x30: {  	[sflag:s19] =	ssyncset.done $0x0;
	s28 =	sshll.u32 @!p0 s26, $0xA  }
0x31: {  	s29 =	simm.s32 @!p0 $0x0;
	[sflag:s19] =	ssyncadd.s32 $0xFFFFFC00;
	s28 =	sxor.u32 @!p0 $0x2C00, s28  }
0x32: {  	[tilespmem:s28], [sflag:$0x1] =	stream.linear.gather @!p0 [hbm4b:s23+s29], $0x400, $0x38;
	[tilespmem:$0x1EC00] =	vst v63  }
0x33: {  	_ =	swait.ge [sflag:s20], $0x3E80  }
0x34: {  	s26 =	sshll.u32 s26, $0xA;
	[sflag:s20] =	ssyncset.done $0x0  }
0x35: {  	s28 =	sor.u32 $0x2800, s26;
	[sflag:s20] =	ssyncadd.s32 $0xFFFFC180  }
0x36: {  	[spmem:s2] =	stream.indirect.scatter.add.f32 [tilespmem:s16], [sflag:$0x4], $0x80, s28, s15, $0xb8;
	[tilespmem:$0x1EC00] =	vst v63  }
0x37: {  	_ =	swait.ge [sflag:s11], $0x3E80  }
0x38: {  	s28 =	sshra.s32 s24, $0x2;
	[sflag:s11] =	ssyncset.done $0x0  }
0x39: {  	s30 =	sadd.s32 $0x100, s28;
	[sflag:s11] =	ssyncadd.s32 $0xFFFFC180  }
0x3a: {  	[tilespmem:s16], [sflag:$0x2] =	stream.indirect.gather [hbm4b:s4+s15], $0x80, s30, s15, $0xb8;
	[tilespmem:$0x1EC00] =	vst v63  }
0x3b: {  	_ =	swait.ge [sflag:s21], $0x3E80  }
0x3c: {  	[sflag:s21] =	ssyncset.done $0x0  }
0x3d: {  	s31 =	sor.u32 $0x2880, s26;
	[sflag:s21] =	ssyncadd.s32 $0xFFFFC180  }
0x3e: {  	[spmem:s2] =	stream.indirect.scatter.add.f32 [tilespmem:s18], [sflag:$0x4], $0x80, s31, s15, $0xb8;
	[tilespmem:$0x1EC00] =	vst v63  }
0x3f: {  	_ =	swait.ge [sflag:s11], $0x3E80  }
0x40: {  	[sflag:s11] =	ssyncset.done $0x0  }
0x41: {  	s30 =	sadd.s32 $0x180, s28;
	[sflag:s11] =	ssyncadd.s32 $0xFFFFC180  }
0x42: {  	[tilespmem:s18], [sflag:$0x3] =	stream.indirect.gather [hbm4b:s4+s15], $0x80, s30, s15, $0xb8;
	[tilespmem:$0x1EC00] =	vst v63  }
0x43: {  	_ =	swait.ge [sflag:s20], $0x3E80  }
0x44: {  	[sflag:s20] =	ssyncset.done $0x0  }
0x45: {  	s31 =	sor.u32 $0x2900, s26;
	[sflag:s20] =	ssyncadd.s32 $0xFFFFC180  }
0x46: {  	[spmem:s2] =	stream.indirect.scatter.add.f32 [tilespmem:s16], [sflag:$0x4], $0x80, s31, s15, $0xb8;
	[tilespmem:$0x1EC00] =	vst v63  }
0x47: {  	_ =	swait.ge [sflag:s11], $0x3E80  }
0x48: {  	[sflag:s11] =	ssyncset.done $0x0  }
0x49: {  	s30 =	sadd.s32 $0x200, s28;
	[sflag:s11] =	ssyncadd.s32 $0xFFFFC180  }
0x4a: {  	[tilespmem:s16], [sflag:$0x2] =	stream.indirect.gather [hbm4b:s4+s15], $0x80, s30, s15, $0xb8;
	[tilespmem:$0x1EC00] =	vst v63  }
0x4b: {  	_ =	swait.ge [sflag:s21], $0x3E80  }
0x4c: {  	[sflag:s21] =	ssyncset.done $0x0  }
0x4d: {  	s31 =	sor.u32 $0x2980, s26;
	[sflag:s21] =	ssyncadd.s32 $0xFFFFC180  }
0x4e: {  	[spmem:s2] =	stream.indirect.scatter.add.f32 [tilespmem:s18], [sflag:$0x4], $0x80, s31, s15, $0xb8;
	[tilespmem:$0x1EC00] =	vst v63  }
0x4f: {  	_ =	swait.ge [sflag:s11], $0x3E80  }
0x50: {  	[sflag:s11] =	ssyncset.done $0x0  }
0x51: {  	s30 =	sadd.s32 $0x280, s28;
	[sflag:s11] =	ssyncadd.s32 $0xFFFFC180  }
0x52: {  	[tilespmem:s18], [sflag:$0x3] =	stream.indirect.gather [hbm4b:s4+s15], $0x80, s30, s15, $0xb8;
	[tilespmem:$0x1EC00] =	vst v63  }
0x53: {  	_ =	swait.ge [sflag:s20], $0x3E80  }
0x54: {  	[sflag:s20] =	ssyncset.done $0x0  }
0x55: {  	s31 =	sor.u32 $0x2A00, s26;
	[sflag:s20] =	ssyncadd.s32 $0xFFFFC180  }
0x56: {  	[spmem:s2] =	stream.indirect.scatter.add.f32 [tilespmem:s16], [sflag:$0x4], $0x80, s31, s15, $0xb8;
	[tilespmem:$0x1EC00] =	vst v63  }
0x57: {  	_ =	swait.ge [sflag:s11], $0x3E80  }
0x58: {  	[sflag:s11] =	ssyncset.done $0x0  }
0x59: {  	s30 =	sadd.s32 $0x300, s28;
	[sflag:s11] =	ssyncadd.s32 $0xFFFFC180  }
0x5a: {  	[tilespmem:s16], [sflag:$0x2] =	stream.indirect.gather [hbm4b:s4+s15], $0x80, s30, s15, $0xb8;
	[tilespmem:$0x1EC00] =	vst v63  }
0x5b: {  	_ =	swait.ge [sflag:s21], $0x3E80  }
0x5c: {  	[sflag:s21] =	ssyncset.done $0x0  }
0x5d: {  	s31 =	sor.u32 $0x2A80, s26;
	[sflag:s21] =	ssyncadd.s32 $0xFFFFC180  }
0x5e: {  	[spmem:s2] =	stream.indirect.scatter.add.f32 [tilespmem:s18], [sflag:$0x4], $0x80, s31, s15, $0xb8;
	[tilespmem:$0x1EC00] =	vst v63  }
0x5f: {  	_ =	swait.ge [sflag:s11], $0x3E80  }
0x60: {  	[sflag:s11] =	ssyncset.done $0x0  }
0x61: {  	s30 =	sadd.s32 $0x380, s28;
	[sflag:s11] =	ssyncadd.s32 $0xFFFFC180  }
0x62: {  	[tilespmem:s18], [sflag:$0x3] =	stream.indirect.gather [hbm4b:s4+s15], $0x80, s30, s15, $0xb8;
	[tilespmem:$0x1EC00] =	vst v63  }
0x63: {  	_ =	swait.ge [sflag:s20], $0x3E80  }
0x64: {  	p0 =	sne.s32 s24, $0x9000;
	[sflag:s20] =	ssyncset.done $0x0  }
.Ltmp2:
0x65: {  	s31 =	sor.u32 $0x2B00, s26;
	[sflag:s20] =	ssyncadd.s32 $0xFFFFC180;
	(pc) =	sbr.rel @!p0 .LBB2_3-.Ltmp2, $4  }
0x66: {  	[spmem:s2] =	stream.indirect.scatter.add.f32 [tilespmem:s16], [sflag:$0x4], $0x80, s31, s15, $0xb8;
	[tilespmem:$0x1EC00] =	vst v63  }
0x67: {  	_ =	swait.ge [sflag:s11], $0x3E80  }
0x68: {  	[sflag:s11] =	ssyncset.done $0x0  }
0x69: {  	[sflag:s11] =	ssyncadd.s32 $0xFFFFC180  }
0x6a: {  	s29 =	sadd.s32 $0x400, s28  }
0x6b: {  	[tilespmem:s16], [sflag:$0x2] =	stream.indirect.gather [hbm4b:s4+s15], $0x80, s29, s15, $0xb8;
	[tilespmem:$0x1EC00] =	vst v63  }
0x6c: {  	_ =	swait.ge [sflag:s21], $0x3E80  }
0x6d: {  	s24 =	sadd.s32 $0x1000, s24;
	[sflag:s21] =	ssyncset.done $0x0  }
0x6e: {  	s26 =	sadd.s32 $0x2B80, s26;
	p0 =	sne.s32 s24, $0xA000;
	[sflag:s21] =	ssyncadd.s32 $0xFFFFC180  }
0x6f: {  	[spmem:s2] =	stream.indirect.scatter.add.f32 [tilespmem:s18], [sflag:$0x4], $0x80, s26, s15, $0xb8;
	[tilespmem:$0x1EC00] =	vst v63  }
.Ltmp3:
0x70: {  	_ = 	snop;
	(pc) =	sbr.rel @p0 .LBB2_2-.Ltmp3, $4  }
.Ltmp4:
0x71: {  	_ =	swait.ge [sflag:s11], $0x3E80;
	(pc) =	sbr.rel @!p0 .LBB2_5-.Ltmp4, $4  }
0x72: {  	s31 =	sadd.s32 $0x480, s28;
	[sflag:s11] =	ssyncset.done $0x0  }
0x73: {  	s23 =	sadd.s32 $0x80, s23;
	s25 =	sadd.s32 $0x1, s25;
	[sflag:s11] =	ssyncadd.s32 $0xFFFFC180  }
0x74: {  	[tilespmem:s18], [sflag:$0x3] =	stream.indirect.gather [hbm4b:s4+s15], $0x80, s31, s15, $0xb8;
	[tilespmem:$0x1EC00] =	vst v63  }
0x75: {  	_ = 	snop  }
.LBB2_6:
0x76: {  	_ =	sfence.sel $0x180000  }
0x77: {  	[bflag:$0x0] =	sbarrier.arrive $0xFFFF  }
0x78: {  	p0 =	sne.s32 s0, $0x0;
	_ =	strace $0x90000047  }
0x79: {  	s0 =	sadd.s32 @!p0 $0x100000, s1;
	[bflag:$0x2] =	sbarrier.arrive $0xFFFF  }
0x7a: {  	[sflag:s0] =	ssyncadd.tile.s32 @!p0 $0x1;
	_ =	shalt  }
.Lfunc_end2:
_tile_overlayer_lowered:
.L_overlay_start_2:
0x7b: {  	(tag) =	ssettag $0x2  }
0x7c: {  	s0 =	rddreg [dreg:$0x0];
	s2 =	stileid.u32  }
0x7d: {  	s1 =	rddreg [dreg:$0x1];
	p0 =	sne.s32 s2, $0x0  }
0x7e: {  	s3 =	rddreg [dreg:$0x2];
	[bflag:$0x3] =	sbarrier.arrive $0xFFFF;
	s2 =	simm.s32 @!p0 $0x1C04  }
0x7f: {  	[timem:s3], [sflag:s2] =	dma.local @!p0 [hbm:s0], s1  }
0x80: {  	s0 =	simm.s32 @!p0 $0x4  }
0x81: {  	_ =	swait.ge @!p0 [sflag:s0], s1  }
0x82: {  	s1 =	ssub.s32 @!p0 $0x0, s1;
	[sflag:s0] =	ssyncset.done @!p0 $0x0  }
0x83: {  	[sflag:s0] =	ssyncadd.s32 @!p0 s1  }
0x84: {  	[bflag:$0x3] =	sbarrier.arrive $0xFFFF  }
0x85: {  	_ =	shalt  }

</sc_bundles>
